<compile_context>
chip_gen: v7x
topology: tpu7x:2x2x1
jax: 0.10.2.dev20260603
libtpu: 0.0.44.dev20260713+nightly
codegen_flags: <defaults>
</compile_context>

<pallas_src>
import functools

import jax
import jax.numpy as jnp
from jax import lax
from jax.experimental import pallas as pl
from jax.experimental.pallas import tpu as pltpu
from jax.experimental.pallas import tpu_sc as plsc

N_NODES = 10000
N_EDGES = 320000
D = 128

NC = 2
NS = 16
NW = NC * NS
EPT = N_EDGES // NW
K = 128
NCHUNK = EPT // K
KTAIL = EPT - NCHUNK * K
N_PAD = 10112
RPT = N_PAD // NS
ZCH = (128, 128, 128, 128, 120)


def _sc_body(x_hbm, ei_hbm, out_hbm,
             src_v0, src_v1, src_v2, dst_v0, dst_v1, dst_v2, src_t, dst_t,
             rows_0, rows_1, rows_2, acc,
             isem_0, isem_1, isem_2, gsem_0, gsem_1, gsem_2,
             ssem_0, ssem_1, ssem_2, wsem):
    cid = lax.axis_index("c")
    sid = lax.axis_index("s")
    wid = sid * NC + cid
    ebase = wid * EPT
    dbase = N_EDGES + ebase

    src_v = (src_v0, src_v1, src_v2)
    dst_v = (dst_v0, dst_v1, dst_v2)
    rows = (rows_0, rows_1, rows_2)
    isem = (isem_0, isem_1, isem_2)
    gsem = (gsem_0, gsem_1, gsem_2)
    ssem = (ssem_0, ssem_1, ssem_2)

    zeros16 = jnp.zeros((16,), jnp.float32)

    def zrow(i, c):
        for j in range(D // 16):
            rows_0[i, pl.ds(j * 16, 16)] = zeros16
        return c

    lax.fori_loop(0, K, zrow, 0)

    def istart(j, b):
        pltpu.async_copy(ei_hbm.at[pl.ds(ebase + j * K, K)], src_v[b], isem[b])
        pltpu.async_copy(ei_hbm.at[pl.ds(dbase + j * K, K)], dst_v[b], isem[b])

    def iwait(b):
        pltpu.make_async_copy(ei_hbm.at[pl.ds(0, K)], src_v[b], isem[b]).wait()
        pltpu.make_async_copy(ei_hbm.at[pl.ds(0, K)], dst_v[b], isem[b]).wait()

    H = K // 2

    def gather(b):
        pltpu.async_copy(x_hbm.at[src_v[b].at[pl.ds(0, H)]],
                         rows[b].at[pl.ds(0, H)], gsem[b])
        pltpu.async_copy(x_hbm.at[src_v[b].at[pl.ds(H, H)]],
                         rows[b].at[pl.ds(H, H)], gsem[b])

    def gwait(b):
        pltpu.make_async_copy(x_hbm.at[src_v[b].at[pl.ds(0, H)]],
                              rows[b].at[pl.ds(0, H)], gsem[b]).wait()
        pltpu.make_async_copy(x_hbm.at[src_v[b].at[pl.ds(H, H)]],
                              rows[b].at[pl.ds(H, H)], gsem[b]).wait()

    def sstart(b):
        pltpu.async_copy(rows[b], acc.at[dst_v[b]], ssem[b], add=True)

    def swait(b):
        pltpu.make_async_copy(rows[b], acc.at[dst_v[b]], ssem[b]).wait()

    def scat(b):
        pltpu.sync_copy(rows[b], acc.at[dst_v[b]], add=True)

    istart(0, 0)
    istart(1, 1)
    istart(2, 2)
    off = 0
    for n in ZCH:
        pltpu.async_copy(rows_0.at[pl.ds(0, n)],
                         acc.at[pl.ds(sid * RPT + off, n)], wsem)
        off += n
    off = 0
    for n in ZCH:
        pltpu.make_async_copy(rows_0.at[pl.ds(0, n)],
                              acc.at[pl.ds(sid * RPT + off, n)], wsem).wait()
        off += n
    iwait(0)
    gather(0)
    iwait(1)
    gather(1)
    plsc.subcore_barrier()

    def body(q, c):
        for r in range(3):
            t = 3 * q + r
            a = r
            n2 = (r + 2) % 3
            gwait(a)
            scat(a)
            istart(t + 3, a)
            iwait(n2)
            gather(n2)
        return c

    lax.fori_loop(0, (NCHUNK - 3) // 3, body, 0)
    gwait(0)
    scat(0)
    iwait(2)
    gather(2)
    gwait(1)
    scat(1)
    gwait(2)
    scat(2)
    tbase = NCHUNK * K
    pltpu.sync_copy(ei_hbm.at[pl.ds(ebase + tbase, KTAIL)], src_t)
    pltpu.sync_copy(ei_hbm.at[pl.ds(dbase + tbase, KTAIL)], dst_t)
    tr = rows_0.at[pl.ds(0, KTAIL)]
    pltpu.async_copy(x_hbm.at[src_t], tr, gsem_0).wait()
    pltpu.sync_copy(tr, acc.at[dst_t], add=True)
    plsc.subcore_barrier()

    r0 = sid * RPT
    pltpu.async_copy(acc.at[pl.ds(r0, RPT)],
                     out_hbm.at[cid, pl.ds(r0, RPT)], wsem)
    pltpu.make_async_copy(acc.at[pl.ds(r0, RPT)],
                          out_hbm.at[cid, pl.ds(r0, RPT)], wsem).wait()


_sc_scatter = functools.partial(
    pl.kernel,
    out_type=jax.ShapeDtypeStruct((NC, N_PAD, D), jnp.float32),
    mesh=plsc.VectorSubcoreMesh(core_axis_name="c", subcore_axis_name="s"),
    scratch_types=[
        pltpu.VMEM((K,), jnp.int32),
        pltpu.VMEM((K,), jnp.int32),
        pltpu.VMEM((K,), jnp.int32),
        pltpu.VMEM((K,), jnp.int32),
        pltpu.VMEM((K,), jnp.int32),
        pltpu.VMEM((K,), jnp.int32),
        pltpu.VMEM((KTAIL,), jnp.int32),
        pltpu.VMEM((KTAIL,), jnp.int32),
        pltpu.VMEM((K, D), jnp.float32),
        pltpu.VMEM((K, D), jnp.float32),
        pltpu.VMEM((K, D), jnp.float32),
        pltpu.VMEM_SHARED((N_PAD, D), jnp.float32),
        pltpu.SemaphoreType.DMA,
        pltpu.SemaphoreType.DMA,
        pltpu.SemaphoreType.DMA,
        pltpu.SemaphoreType.DMA,
        pltpu.SemaphoreType.DMA,
        pltpu.SemaphoreType.DMA,
        pltpu.SemaphoreType.DMA,
        pltpu.SemaphoreType.DMA,
        pltpu.SemaphoreType.DMA,
        pltpu.SemaphoreType.DMA,
    ],
)(_sc_body)


ROWS_BLK = 2000


def _tc_body(p_ref, w_ref, o_ref):
    s = p_ref[0] + p_ref[1]
    o_ref[...] = jnp.maximum(
        lax.dot_general(s, w_ref[...], (((1,), (1,)), ((), ())),
                        preferred_element_type=jnp.float32),
        0.0)


def _combine(partials, W):
    return pl.pallas_call(
        _tc_body,
        grid=(N_NODES // ROWS_BLK,),
        in_specs=[
            pl.BlockSpec((NC, ROWS_BLK, D), lambda i: (0, i, 0)),
            pl.BlockSpec((D, D), lambda i: (0, 0)),
        ],
        out_specs=pl.BlockSpec((ROWS_BLK, D), lambda i: (i, 0)),
        out_shape=jax.ShapeDtypeStruct((N_NODES, D), jnp.float32),
    )(partials, W)


def kernel(x, edge_index, W):
    partials = _sc_scatter(x, edge_index.reshape(2 * N_EDGES))
    return _combine(partials, W)

# --- scband reference (transcript-rebuilt; emitter-appended) ---
"""Pipeline reference for scband-combined-model-25563645346362 (READ-ONLY COPY).

The authoritative reference and input builder live on the scoring server;
editing this copy changes nothing except your own understanding.
"""

import jax, jax.numpy as jnp
import numpy as np

N_NODES = 10000
N_EDGES = 320000
D_FEAT = 128

def setup_inputs(seed: int = 0) -> dict:
    key = jax.random.key(seed)
    k1, k2, k3 = jax.random.split(key, 3)
    x = jax.random.normal(k1, (N_NODES, D_FEAT), dtype=jnp.float32)
    edge_index = jax.random.randint(k2, (2, N_EDGES), 0, N_NODES, dtype=jnp.int32)
    # learned parameter: MLPUpdate's Linear(in_channels=128, out_channels=128, bias=False)
    W = jax.random.normal(k3, (D_FEAT, D_FEAT), dtype=jnp.float32) * (1.0 / np.sqrt(D_FEAT))
    return {"x": x, "edge_index": edge_index, "W": W}

def reference(x, edge_index, W):
    # Pipeline: MLPUpdate -> MessageGeneration -> MessageAggregation
    # MLPUpdate: x = Linear(x) (no bias); torch Linear computes x @ W^T
    h = x @ W.T
    # MessageGeneration: gather source-node features as messages
    src = edge_index[0]
    messages = h[src]
    # MessageAggregation: scatter_add messages by destination index, then relu (update)
    dst = edge_index[1]
    agg = jax.ops.segment_sum(messages, dst, num_segments=h.shape[0])
    out = jax.nn.relu(agg)
    return out

if __name__ == "__main__":
    import jax
    _d = setup_inputs()
    print(jax.jit(kernel)(*tuple(_d.values())))

</pallas_src>

<mosaic_0001>
#map = affine_map<(d0, d1) -> (0, 0)>
#map1 = affine_map<(d0, d1) -> (0)>
#map2 = affine_map<(d0, d1) -> (0, 0, 0)>
module attributes {stable_mosaic.version = 14 : i64} {
  func.func @_sc_body(%arg0: i32, %arg1: i32, %arg2: memref<10000x128xf32, #tpu.memory_space<hbm>>, %arg3: memref<640000xi32, #tpu.memory_space<hbm>>, %arg4: memref<2x10112x128xf32, #tpu.memory_space<hbm>>, %arg5: memref<128xi32, #tpu.memory_space<vmem>>, %arg6: memref<128xi32, #tpu.memory_space<vmem>>, %arg7: memref<128xi32, #tpu.memory_space<vmem>>, %arg8: memref<128xi32, #tpu.memory_space<vmem>>, %arg9: memref<128xi32, #tpu.memory_space<vmem>>, %arg10: memref<128xi32, #tpu.memory_space<vmem>>, %arg11: memref<16xi32, #tpu.memory_space<vmem>>, %arg12: memref<16xi32, #tpu.memory_space<vmem>>, %arg13: memref<128x128xf32, #tpu.memory_space<vmem>>, %arg14: memref<128x128xf32, #tpu.memory_space<vmem>>, %arg15: memref<128x128xf32, #tpu.memory_space<vmem>>, %arg16: memref<10112x128xf32, #tpu.memory_space<vmem_shared>>, %arg17: memref<!tpu.dma_semaphore, #tpu.memory_space<semaphore_mem>>, %arg18: memref<!tpu.dma_semaphore, #tpu.memory_space<semaphore_mem>>, %arg19: memref<!tpu.dma_semaphore, #tpu.memory_space<semaphore_mem>>, %arg20: memref<!tpu.dma_semaphore, #tpu.memory_space<semaphore_mem>>, %arg21: memref<!tpu.dma_semaphore, #tpu.memory_space<semaphore_mem>>, %arg22: memref<!tpu.dma_semaphore, #tpu.memory_space<semaphore_mem>>, %arg23: memref<!tpu.dma_semaphore, #tpu.memory_space<semaphore_mem>>, %arg24: memref<!tpu.dma_semaphore, #tpu.memory_space<semaphore_mem>>, %arg25: memref<!tpu.dma_semaphore, #tpu.memory_space<semaphore_mem>>, %arg26: memref<!tpu.dma_semaphore, #tpu.memory_space<semaphore_mem>>) attributes {dimension_semantics = [#tpu.dimension_semantics<core_parallel>, #tpu.dimension_semantics<subcore_parallel>], iteration_bounds = array<i64: 2, 16>, scalar_prefetch = 0 : i64, scratch_operands = 22 : i64, tpu.core_type = #tpu.core_type<sc_vector_subcore>, window_params = [{transform_indices = #map}, {transform_indices = #map1}, {transform_indices = #map2}]} {
    %mul3A = arith.constant 2 : i32
    %mul3A_0 = arith.muli %arg1, %mul3A : i32
    %add3A = arith.addi %mul3A_0, %arg0 : i32
    %mul3A_1 = arith.constant 10000 : i32
    %mul3A_2 = arith.muli %add3A, %mul3A_1 : i32
    %add3A_3 = arith.constant 320000 : i32
    %add3A_4 = arith.addi %add3A_3, %mul3A_2 : i32
    %broadcast_in_dim3A = arith.constant 0.000000e+00 : f32
    %broadcast_in_dim3A_5 = vector.broadcast %broadcast_in_dim3A : f32 to vector<16xf32>
    %scan3A = arith.constant 0 : i32
    %scan3A_6 = arith.constant 0 : i32
    %scan3A_7 = arith.constant 128 : i32
    %scan3A_8 = arith.addi %scan3A_6, %scan3A_7 : i32
    %scan3A_9 = arith.constant 1 : i32
    scf.for %scan3A_328 = %scan3A_6 to %scan3A_8 step %scan3A_9  : i32 {
      %swap3A = arith.index_cast %scan3A_328 : i32 to index
      %swap3A_329 = arith.constant 0 : index
      %swap3A_330 = tpu.vector_load %arg13[%swap3A, %swap3A_329] {strides = array<i32>} : memref<128x128xf32, #tpu.memory_space<vmem>>, vector<1x16xf32>,
      %swap3A_331 = vector.shape_cast %swap3A_330 : vector<1x16xf32> to vector<16xf32>
      %swap3A_332 = vector.shape_cast %broadcast_in_dim3A_5 : vector<16xf32> to vector<1x16xf32>
      tpu.vector_store %arg13[%swap3A, %swap3A_329], %swap3A_332 {strides = array<i32>} : memref<128x128xf32, #tpu.memory_space<vmem>>, vector<1x16xf32>,
      %swap3A_333 = arith.index_cast %scan3A_328 : i32 to index
      %swap3A_334 = arith.constant 16 : index
      %swap3A_335 = tpu.vector_load %arg13[%swap3A_333, %swap3A_334] {strides = array<i32>} : memref<128x128xf32, #tpu.memory_space<vmem>>, vector<1x16xf32>,
      %swap3A_336 = vector.shape_cast %swap3A_335 : vector<1x16xf32> to vector<16xf32>
      %swap3A_337 = vector.shape_cast %broadcast_in_dim3A_5 : vector<16xf32> to vector<1x16xf32>
      tpu.vector_store %arg13[%swap3A_333, %swap3A_334], %swap3A_337 {strides = array<i32>} : memref<128x128xf32, #tpu.memory_space<vmem>>, vector<1x16xf32>,
      %swap3A_338 = arith.index_cast %scan3A_328 : i32 to index
      %swap3A_339 = arith.constant 32 : index
      %swap3A_340 = tpu.vector_load %arg13[%swap3A_338, %swap3A_339] {strides = array<i32>} : memref<128x128xf32, #tpu.memory_space<vmem>>, vector<1x16xf32>,
      %swap3A_341 = vector.shape_cast %swap3A_340 : vector<1x16xf32> to vector<16xf32>
      %swap3A_342 = vector.shape_cast %broadcast_in_dim3A_5 : vector<16xf32> to vector<1x16xf32>
      tpu.vector_store %arg13[%swap3A_338, %swap3A_339], %swap3A_342 {strides = array<i32>} : memref<128x128xf32, #tpu.memory_space<vmem>>, vector<1x16xf32>,
      %swap3A_343 = arith.index_cast %scan3A_328 : i32 to index
      %swap3A_344 = arith.constant 48 : index
      %swap3A_345 = tpu.vector_load %arg13[%swap3A_343, %swap3A_344] {strides = array<i32>} : memref<128x128xf32, #tpu.memory_space<vmem>>, vector<1x16xf32>,
      %swap3A_346 = vector.shape_cast %swap3A_345 : vector<1x16xf32> to vector<16xf32>
      %swap3A_347 = vector.shape_cast %broadcast_in_dim3A_5 : vector<16xf32> to vector<1x16xf32>
      tpu.vector_store %arg13[%swap3A_343, %swap3A_344], %swap3A_347 {strides = array<i32>} : memref<128x128xf32, #tpu.memory_space<vmem>>, vector<1x16xf32>,
      %swap3A_348 = arith.index_cast %scan3A_328 : i32 to index
      %swap3A_349 = arith.constant 64 : index
      %swap3A_350 = tpu.vector_load %arg13[%swap3A_348, %swap3A_349] {strides = array<i32>} : memref<128x128xf32, #tpu.memory_space<vmem>>, vector<1x16xf32>,
      %swap3A_351 = vector.shape_cast %swap3A_350 : vector<1x16xf32> to vector<16xf32>
      %swap3A_352 = vector.shape_cast %broadcast_in_dim3A_5 : vector<16xf32> to vector<1x16xf32>
      tpu.vector_store %arg13[%swap3A_348, %swap3A_349], %swap3A_352 {strides = array<i32>} : memref<128x128xf32, #tpu.memory_space<vmem>>, vector<1x16xf32>,
      %swap3A_353 = arith.index_cast %scan3A_328 : i32 to index
      %swap3A_354 = arith.constant 80 : index
      %swap3A_355 = tpu.vector_load %arg13[%swap3A_353, %swap3A_354] {strides = array<i32>} : memref<128x128xf32, #tpu.memory_space<vmem>>, vector<1x16xf32>,
      %swap3A_356 = vector.shape_cast %swap3A_355 : vector<1x16xf32> to vector<16xf32>
      %swap3A_357 = vector.shape_cast %broadcast_in_dim3A_5 : vector<16xf32> to vector<1x16xf32>
      tpu.vector_store %arg13[%swap3A_353, %swap3A_354], %swap3A_357 {strides = array<i32>} : memref<128x128xf32, #tpu.memory_space<vmem>>, vector<1x16xf32>,
      %swap3A_358 = arith.index_cast %scan3A_328 : i32 to index
      %swap3A_359 = arith.constant 96 : index
      %swap3A_360 = tpu.vector_load %arg13[%swap3A_358, %swap3A_359] {strides = array<i32>} : memref<128x128xf32, #tpu.memory_space<vmem>>, vector<1x16xf32>,
      %swap3A_361 = vector.shape_cast %swap3A_360 : vector<1x16xf32> to vector<16xf32>
      %swap3A_362 = vector.shape_cast %broadcast_in_dim3A_5 : vector<16xf32> to vector<1x16xf32>
      tpu.vector_store %arg13[%swap3A_358, %swap3A_359], %swap3A_362 {strides = array<i32>} : memref<128x128xf32, #tpu.memory_space<vmem>>, vector<1x16xf32>,
      %swap3A_363 = arith.index_cast %scan3A_328 : i32 to index
      %swap3A_364 = arith.constant 112 : index
      %swap3A_365 = tpu.vector_load %arg13[%swap3A_363, %swap3A_364] {strides = array<i32>} : memref<128x128xf32, #tpu.memory_space<vmem>>, vector<1x16xf32>,
      %swap3A_366 = vector.shape_cast %swap3A_365 : vector<1x16xf32> to vector<16xf32>
      %swap3A_367 = vector.shape_cast %broadcast_in_dim3A_5 : vector<16xf32> to vector<1x16xf32>
      tpu.vector_store %arg13[%swap3A_363, %swap3A_364], %swap3A_367 {strides = array<i32>} : memref<128x128xf32, #tpu.memory_space<vmem>>, vector<1x16xf32>,
    }
    %scan3A_10 = arith.constant 128 : i32
    %add3A_11 = arith.constant 0 : i32
    %add3A_12 = arith.addi %mul3A_2, %add3A_11 : i32
    %dma_start3A = tpu.memref_slice %arg3[%add3A_12] : memref<640000xi32, #tpu.memory_space<hbm>> -> memref<128xi32, #tpu.memory_space<hbm>>
    %dma_start3A_13 = tpu.memref_slice %arg3[%add3A_12] : memref<640000xi32, #tpu.memory_space<hbm>> -> memref<128xi32, #tpu.memory_space<hbm>>
    tpu.enqueue_dma source(%dma_start3A_13 : memref<128xi32, #tpu.memory_space<hbm>>) target(%arg5 : memref<128xi32, #tpu.memory_space<vmem>>) target_semaphore(%arg17 : memref<!tpu.dma_semaphore, #tpu.memory_space<semaphore_mem>>)
    %add3A_14 = arith.constant 0 : i32
    %add3A_15 = arith.addi %add3A_4, %add3A_14 : i32
    %dma_start3A_16 = tpu.memref_slice %arg3[%add3A_15] : memref<640000xi32, #tpu.memory_space<hbm>> -> memref<128xi32, #tpu.memory_space<hbm>>
    %dma_start3A_17 = tpu.memref_slice %arg3[%add3A_15] : memref<640000xi32, #tpu.memory_space<hbm>> -> memref<128xi32, #tpu.memory_space<hbm>>
    tpu.enqueue_dma source(%dma_start3A_17 : memref<128xi32, #tpu.memory_space<hbm>>) target(%arg8 : memref<128xi32, #tpu.memory_space<vmem>>) target_semaphore(%arg17 : memref<!tpu.dma_semaphore, #tpu.memory_space<semaphore_mem>>)
    %add3A_18 = arith.constant 128 : i32
    %add3A_19 = arith.addi %mul3A_2, %add3A_18 : i32
    %dma_start3A_20 = tpu.memref_slice %arg3[%add3A_19] : memref<640000xi32, #tpu.memory_space<hbm>> -> memref<128xi32, #tpu.memory_space<hbm>>
    %dma_start3A_21 = tpu.memref_slice %arg3[%add3A_19] : memref<640000xi32, #tpu.memory_space<hbm>> -> memref<128xi32, #tpu.memory_space<hbm>>
    tpu.enqueue_dma source(%dma_start3A_21 : memref<128xi32, #tpu.memory_space<hbm>>) target(%arg6 : memref<128xi32, #tpu.memory_space<vmem>>) target_semaphore(%arg18 : memref<!tpu.dma_semaphore, #tpu.memory_space<semaphore_mem>>)
    %add3A_22 = arith.constant 128 : i32
    %add3A_23 = arith.addi %add3A_4, %add3A_22 : i32
    %dma_start3A_24 = tpu.memref_slice %arg3[%add3A_23] : memref<640000xi32, #tpu.memory_space<hbm>> -> memref<128xi32, #tpu.memory_space<hbm>>
    %dma_start3A_25 = tpu.memref_slice %arg3[%add3A_23] : memref<640000xi32, #tpu.memory_space<hbm>> -> memref<128xi32, #tpu.memory_space<hbm>>
    tpu.enqueue_dma source(%dma_start3A_25 : memref<128xi32, #tpu.memory_space<hbm>>) target(%arg9 : memref<128xi32, #tpu.memory_space<vmem>>) target_semaphore(%arg18 : memref<!tpu.dma_semaphore, #tpu.memory_space<semaphore_mem>>)
    %add3A_26 = arith.constant 256 : i32
    %add3A_27 = arith.addi %mul3A_2, %add3A_26 : i32
    %dma_start3A_28 = tpu.memref_slice %arg3[%add3A_27] : memref<640000xi32, #tpu.memory_space<hbm>> -> memref<128xi32, #tpu.memory_space<hbm>>
    %dma_start3A_29 = tpu.memref_slice %arg3[%add3A_27] : memref<640000xi32, #tpu.memory_space<hbm>> -> memref<128xi32, #tpu.memory_space<hbm>>
    tpu.enqueue_dma source(%dma_start3A_29 : memref<128xi32, #tpu.memory_space<hbm>>) target(%arg7 : memref<128xi32, #tpu.memory_space<vmem>>) target_semaphore(%arg19 : memref<!tpu.dma_semaphore, #tpu.memory_space<semaphore_mem>>)
    %add3A_30 = arith.constant 256 : i32
    %add3A_31 = arith.addi %add3A_4, %add3A_30 : i32
    %dma_start3A_32 = tpu.memref_slice %arg3[%add3A_31] : memref<640000xi32, #tpu.memory_space<hbm>> -> memref<128xi32, #tpu.memory_space<hbm>>
    %dma_start3A_33 = tpu.memref_slice %arg3[%add3A_31] : memref<640000xi32, #tpu.memory_space<hbm>> -> memref<128xi32, #tpu.memory_space<hbm>>
    tpu.enqueue_dma source(%dma_start3A_33 : memref<128xi32, #tpu.memory_space<hbm>>) target(%arg10 : memref<128xi32, #tpu.memory_space<vmem>>) target_semaphore(%arg19 : memref<!tpu.dma_semaphore, #tpu.memory_space<semaphore_mem>>)
    %mul3A_34 = arith.constant 632 : i32
    %mul3A_35 = arith.muli %arg1, %mul3A_34 : i32
    %add3A_36 = arith.constant 0 : i32
    %add3A_37 = arith.addi %mul3A_35, %add3A_36 : i32
    %dma_start3A_38 = arith.constant 0 : i32
    %dma_start3A_39 = arith.constant 0 : i32
    %dma_start3A_40 = tpu.memref_slice %arg13[%dma_start3A_38, %dma_start3A_39] : memref<128x128xf32, #tpu.memory_space<vmem>> -> memref<128x128xf32, #tpu.memory_space<vmem>>
    %dma_start3A_41 = arith.constant 0 : i32
    %dma_start3A_42 = tpu.memref_slice %arg16[%add3A_37, %dma_start3A_41] : memref<10112x128xf32, #tpu.memory_space<vmem_shared>> -> memref<128x128xf32, #tpu.memory_space<vmem_shared>>
    %dma_start3A_43 = arith.constant 0 : i32
    %dma_start3A_44 = tpu.memref_slice %arg16[%add3A_37, %dma_start3A_43] : memref<10112x128xf32, #tpu.memory_space<vmem_shared>> -> memref<128x128xf32, #tpu.memory_space<vmem_shared>>
    %dma_start3A_45 = arith.constant 0 : i32
    %dma_start3A_46 = arith.constant 0 : i32
    %dma_start3A_47 = tpu.memref_slice %arg13[%dma_start3A_45, %dma_start3A_46] : memref<128x128xf32, #tpu.memory_space<vmem>> -> memref<128x128xf32, #tpu.memory_space<vmem>>
    tpu.enqueue_dma source(%dma_start3A_47 : memref<128x128xf32, #tpu.memory_space<vmem>>) target(%dma_start3A_44 : memref<128x128xf32, #tpu.memory_space<vmem_shared>>) target_semaphore(%arg26 : memref<!tpu.dma_semaphore, #tpu.memory_space<semaphore_mem>>)
    %mul3A_48 = arith.constant 632 : i32
    %mul3A_49 = arith.muli %arg1, %mul3A_48 : i32
    %add3A_50 = arith.constant 128 : i32
    %add3A_51 = arith.addi %mul3A_49, %add3A_50 : i32
    %dma_start3A_52 = arith.constant 0 : i32
    %dma_start3A_53 = arith.constant 0 : i32
    %dma_start3A_54 = tpu.memref_slice %arg13[%dma_start3A_52, %dma_start3A_53] : memref<128x128xf32, #tpu.memory_space<vmem>> -> memref<128x128xf32, #tpu.memory_space<vmem>>
    %dma_start3A_55 = arith.constant 0 : i32
    %dma_start3A_56 = tpu.memref_slice %arg16[%add3A_51, %dma_start3A_55] : memref<10112x128xf32, #tpu.memory_space<vmem_shared>> -> memref<128x128xf32, #tpu.memory_space<vmem_shared>>
    %dma_start3A_57 = arith.constant 0 : i32
    %dma_start3A_58 = tpu.memref_slice %arg16[%add3A_51, %dma_start3A_57] : memref<10112x128xf32, #tpu.memory_space<vmem_shared>> -> memref<128x128xf32, #tpu.memory_space<vmem_shared>>
    %dma_start3A_59 = arith.constant 0 : i32
    %dma_start3A_60 = arith.constant 0 : i32
    %dma_start3A_61 = tpu.memref_slice %arg13[%dma_start3A_59, %dma_start3A_60] : memref<128x128xf32, #tpu.memory_space<vmem>> -> memref<128x128xf32, #tpu.memory_space<vmem>>
    tpu.enqueue_dma source(%dma_start3A_61 : memref<128x128xf32, #tpu.memory_space<vmem>>) target(%dma_start3A_58 : memref<128x128xf32, #tpu.memory_space<vmem_shared>>) target_semaphore(%arg26 : memref<!tpu.dma_semaphore, #tpu.memory_space<semaphore_mem>>)
    %mul3A_62 = arith.constant 632 : i32
    %mul3A_63 = arith.muli %arg1, %mul3A_62 : i32
    %add3A_64 = arith.constant 256 : i32
    %add3A_65 = arith.addi %mul3A_63, %add3A_64 : i32
    %dma_start3A_66 = arith.constant 0 : i32
    %dma_start3A_67 = arith.constant 0 : i32
    %dma_start3A_68 = tpu.memref_slice %arg13[%dma_start3A_66, %dma_start3A_67] : memref<128x128xf32, #tpu.memory_space<vmem>> -> memref<128x128xf32, #tpu.memory_space<vmem>>
    %dma_start3A_69 = arith.constant 0 : i32
    %dma_start3A_70 = tpu.memref_slice %arg16[%add3A_65, %dma_start3A_69] : memref<10112x128xf32, #tpu.memory_space<vmem_shared>> -> memref<128x128xf32, #tpu.memory_space<vmem_shared>>
    %dma_start3A_71 = arith.constant 0 : i32
    %dma_start3A_72 = tpu.memref_slice %arg16[%add3A_65, %dma_start3A_71] : memref<10112x128xf32, #tpu.memory_space<vmem_shared>> -> memref<128x128xf32, #tpu.memory_space<vmem_shared>>
    %dma_start3A_73 = arith.constant 0 : i32
    %dma_start3A_74 = arith.constant 0 : i32
    %dma_start3A_75 = tpu.memref_slice %arg13[%dma_start3A_73, %dma_start3A_74] : memref<128x128xf32, #tpu.memory_space<vmem>> -> memref<128x128xf32, #tpu.memory_space<vmem>>
    tpu.enqueue_dma source(%dma_start3A_75 : memref<128x128xf32, #tpu.memory_space<vmem>>) target(%dma_start3A_72 : memref<128x128xf32, #tpu.memory_space<vmem_shared>>) target_semaphore(%arg26 : memref<!tpu.dma_semaphore, #tpu.memory_space<semaphore_mem>>)
    %mul3A_76 = arith.constant 632 : i32
    %mul3A_77 = arith.muli %arg1, %mul3A_76 : i32
    %add3A_78 = arith.constant 384 : i32
    %add3A_79 = arith.addi %mul3A_77, %add3A_78 : i32
    %dma_start3A_80 = arith.constant 0 : i32
    %dma_start3A_81 = arith.constant 0 : i32
    %dma_start3A_82 = tpu.memref_slice %arg13[%dma_start3A_80, %dma_start3A_81] : memref<128x128xf32, #tpu.memory_space<vmem>> -> memref<128x128xf32, #tpu.memory_space<vmem>>
    %dma_start3A_83 = arith.constant 0 : i32
    %dma_start3A_84 = tpu.memref_slice %arg16[%add3A_79, %dma_start3A_83] : memref<10112x128xf32, #tpu.memory_space<vmem_shared>> -> memref<128x128xf32, #tpu.memory_space<vmem_shared>>
    %dma_start3A_85 = arith.constant 0 : i32
    %dma_start3A_86 = tpu.memref_slice %arg16[%add3A_79, %dma_start3A_85] : memref<10112x128xf32, #tpu.memory_space<vmem_shared>> -> memref<128x128xf32, #tpu.memory_space<vmem_shared>>
    %dma_start3A_87 = arith.constant 0 : i32
    %dma_start3A_88 = arith.constant 0 : i32
    %dma_start3A_89 = tpu.memref_slice %arg13[%dma_start3A_87, %dma_start3A_88] : memref<128x128xf32, #tpu.memory_space<vmem>> -> memref<128x128xf32, #tpu.memory_space<vmem>>
    tpu.enqueue_dma source(%dma_start3A_89 : memref<128x128xf32, #tpu.memory_space<vmem>>) target(%dma_start3A_86 : memref<128x128xf32, #tpu.memory_space<vmem_shared>>) target_semaphore(%arg26 : memref<!tpu.dma_semaphore, #tpu.memory_space<semaphore_mem>>)
    %mul3A_90 = arith.constant 632 : i32
    %mul3A_91 = arith.muli %arg1, %mul3A_90 : i32
    %add3A_92 = arith.constant 512 : i32
    %add3A_93 = arith.addi %mul3A_91, %add3A_92 : i32
    %dma_start3A_94 = arith.constant 0 : i32
    %dma_start3A_95 = arith.constant 0 : i32
    %dma_start3A_96 = tpu.memref_slice %arg13[%dma_start3A_94, %dma_start3A_95] : memref<128x128xf32, #tpu.memory_space<vmem>> -> memref<120x128xf32, #tpu.memory_space<vmem>>
    %dma_start3A_97 = arith.constant 0 : i32
    %dma_start3A_98 = tpu.memref_slice %arg16[%add3A_93, %dma_start3A_97] : memref<10112x128xf32, #tpu.memory_space<vmem_shared>> -> memref<120x128xf32, #tpu.memory_space<vmem_shared>>
    %dma_start3A_99 = arith.constant 0 : i32
    %dma_start3A_100 = tpu.memref_slice %arg16[%add3A_93, %dma_start3A_99] : memref<10112x128xf32, #tpu.memory_space<vmem_shared>> -> memref<120x128xf32, #tpu.memory_space<vmem_shared>>
    %dma_start3A_101 = arith.constant 0 : i32
    %dma_start3A_102 = arith.constant 0 : i32
    %dma_start3A_103 = tpu.memref_slice %arg13[%dma_start3A_101, %dma_start3A_102] : memref<128x128xf32, #tpu.memory_space<vmem>> -> memref<120x128xf32, #tpu.memory_space<vmem>>
    tpu.enqueue_dma source(%dma_start3A_103 : memref<120x128xf32, #tpu.memory_space<vmem>>) target(%dma_start3A_100 : memref<120x128xf32, #tpu.memory_space<vmem_shared>>) target_semaphore(%arg26 : memref<!tpu.dma_semaphore, #tpu.memory_space<semaphore_mem>>)
    %mul3A_104 = arith.constant 632 : i32
    %mul3A_105 = arith.muli %arg1, %mul3A_104 : i32
    %add3A_106 = arith.constant 0 : i32
    %add3A_107 = arith.addi %mul3A_105, %add3A_106 : i32
    %dma_wait3A = arith.constant 0 : i32
    %dma_wait3A_108 = arith.constant 0 : i32
    %dma_wait3A_109 = tpu.memref_slice %arg13[%dma_wait3A, %dma_wait3A_108] : memref<128x128xf32, #tpu.memory_space<vmem>> -> memref<128x128xf32, #tpu.memory_space<vmem>>
    %dma_wait3A_110 = arith.constant 0 : i32
    %dma_wait3A_111 = tpu.memref_slice %arg16[%add3A_107, %dma_wait3A_110] : memref<10112x128xf32, #tpu.memory_space<vmem_shared>> -> memref<128x128xf32, #tpu.memory_space<vmem_shared>>
    %dma_wait3A_112 = arith.constant 0 : i32
    %dma_wait3A_113 = tpu.memref_slice %arg16[%add3A_107, %dma_wait3A_112] : memref<10112x128xf32, #tpu.memory_space<vmem_shared>> -> memref<128x128xf32, #tpu.memory_space<vmem_shared>>
    %dma_wait3A_114 = arith.constant 0 : i32
    %dma_wait3A_115 = arith.constant 0 : i32
    %dma_wait3A_116 = tpu.memref_slice %arg13[%dma_wait3A_114, %dma_wait3A_115] : memref<128x128xf32, #tpu.memory_space<vmem>> -> memref<128x128xf32, #tpu.memory_space<vmem>>
    tpu.wait_dma2 semaphore(%arg26 : memref<!tpu.dma_semaphore, #tpu.memory_space<semaphore_mem>>) src(%dma_wait3A_116 : memref<128x128xf32, #tpu.memory_space<vmem>>) dst(%dma_wait3A_113 : memref<128x128xf32, #tpu.memory_space<vmem_shared>>)
    %mul3A_117 = arith.constant 632 : i32
    %mul3A_118 = arith.muli %arg1, %mul3A_117 : i32
    %add3A_119 = arith.constant 128 : i32
    %add3A_120 = arith.addi %mul3A_118, %add3A_119 : i32
    %dma_wait3A_121 = arith.constant 0 : i32
    %dma_wait3A_122 = arith.constant 0 : i32
    %dma_wait3A_123 = tpu.memref_slice %arg13[%dma_wait3A_121, %dma_wait3A_122] : memref<128x128xf32, #tpu.memory_space<vmem>> -> memref<128x128xf32, #tpu.memory_space<vmem>>
    %dma_wait3A_124 = arith.constant 0 : i32
    %dma_wait3A_125 = tpu.memref_slice %arg16[%add3A_120, %dma_wait3A_124] : memref<10112x128xf32, #tpu.memory_space<vmem_shared>> -> memref<128x128xf32, #tpu.memory_space<vmem_shared>>
    %dma_wait3A_126 = arith.constant 0 : i32
    %dma_wait3A_127 = tpu.memref_slice %arg16[%add3A_120, %dma_wait3A_126] : memref<10112x128xf32, #tpu.memory_space<vmem_shared>> -> memref<128x128xf32, #tpu.memory_space<vmem_shared>>
    %dma_wait3A_128 = arith.constant 0 : i32
    %dma_wait3A_129 = arith.constant 0 : i32
    %dma_wait3A_130 = tpu.memref_slice %arg13[%dma_wait3A_128, %dma_wait3A_129] : memref<128x128xf32, #tpu.memory_space<vmem>> -> memref<128x128xf32, #tpu.memory_space<vmem>>
    tpu.wait_dma2 semaphore(%arg26 : memref<!tpu.dma_semaphore, #tpu.memory_space<semaphore_mem>>) src(%dma_wait3A_130 : memref<128x128xf32, #tpu.memory_space<vmem>>) dst(%dma_wait3A_127 : memref<128x128xf32, #tpu.memory_space<vmem_shared>>)
    %mul3A_131 = arith.constant 632 : i32
    %mul3A_132 = arith.muli %arg1, %mul3A_131 : i32
    %add3A_133 = arith.constant 256 : i32
    %add3A_134 = arith.addi %mul3A_132, %add3A_133 : i32
    %dma_wait3A_135 = arith.constant 0 : i32
    %dma_wait3A_136 = arith.constant 0 : i32
    %dma_wait3A_137 = tpu.memref_slice %arg13[%dma_wait3A_135, %dma_wait3A_136] : memref<128x128xf32, #tpu.memory_space<vmem>> -> memref<128x128xf32, #tpu.memory_space<vmem>>
    %dma_wait3A_138 = arith.constant 0 : i32
    %dma_wait3A_139 = tpu.memref_slice %arg16[%add3A_134, %dma_wait3A_138] : memref<10112x128xf32, #tpu.memory_space<vmem_shared>> -> memref<128x128xf32, #tpu.memory_space<vmem_shared>>
    %dma_wait3A_140 = arith.constant 0 : i32
    %dma_wait3A_141 = tpu.memref_slice %arg16[%add3A_134, %dma_wait3A_140] : memref<10112x128xf32, #tpu.memory_space<vmem_shared>> -> memref<128x128xf32, #tpu.memory_space<vmem_shared>>
    %dma_wait3A_142 = arith.constant 0 : i32
    %dma_wait3A_143 = arith.constant 0 : i32
    %dma_wait3A_144 = tpu.memref_slice %arg13[%dma_wait3A_142, %dma_wait3A_143] : memref<128x128xf32, #tpu.memory_space<vmem>> -> memref<128x128xf32, #tpu.memory_space<vmem>>
    tpu.wait_dma2 semaphore(%arg26 : memref<!tpu.dma_semaphore, #tpu.memory_space<semaphore_mem>>) src(%dma_wait3A_144 : memref<128x128xf32, #tpu.memory_space<vmem>>) dst(%dma_wait3A_141 : memref<128x128xf32, #tpu.memory_space<vmem_shared>>)
    %mul3A_145 = arith.constant 632 : i32
    %mul3A_146 = arith.muli %arg1, %mul3A_145 : i32
    %add3A_147 = arith.constant 384 : i32
    %add3A_148 = arith.addi %mul3A_146, %add3A_147 : i32
    %dma_wait3A_149 = arith.constant 0 : i32
    %dma_wait3A_150 = arith.constant 0 : i32
    %dma_wait3A_151 = tpu.memref_slice %arg13[%dma_wait3A_149, %dma_wait3A_150] : memref<128x128xf32, #tpu.memory_space<vmem>> -> memref<128x128xf32, #tpu.memory_space<vmem>>
    %dma_wait3A_152 = arith.constant 0 : i32
    %dma_wait3A_153 = tpu.memref_slice %arg16[%add3A_148, %dma_wait3A_152] : memref<10112x128xf32, #tpu.memory_space<vmem_shared>> -> memref<128x128xf32, #tpu.memory_space<vmem_shared>>
    %dma_wait3A_154 = arith.constant 0 : i32
    %dma_wait3A_155 = tpu.memref_slice %arg16[%add3A_148, %dma_wait3A_154] : memref<10112x128xf32, #tpu.memory_space<vmem_shared>> -> memref<128x128xf32, #tpu.memory_space<vmem_shared>>
    %dma_wait3A_156 = arith.constant 0 : i32
    %dma_wait3A_157 = arith.constant 0 : i32
    %dma_wait3A_158 = tpu.memref_slice %arg13[%dma_wait3A_156, %dma_wait3A_157] : memref<128x128xf32, #tpu.memory_space<vmem>> -> memref<128x128xf32, #tpu.memory_space<vmem>>
    tpu.wait_dma2 semaphore(%arg26 : memref<!tpu.dma_semaphore, #tpu.memory_space<semaphore_mem>>) src(%dma_wait3A_158 : memref<128x128xf32, #tpu.memory_space<vmem>>) dst(%dma_wait3A_155 : memref<128x128xf32, #tpu.memory_space<vmem_shared>>)
    %mul3A_159 = arith.constant 632 : i32
    %mul3A_160 = arith.muli %arg1, %mul3A_159 : i32
    %add3A_161 = arith.constant 512 : i32
    %add3A_162 = arith.addi %mul3A_160, %add3A_161 : i32
    %dma_wait3A_163 = arith.constant 0 : i32
    %dma_wait3A_164 = arith.constant 0 : i32
    %dma_wait3A_165 = tpu.memref_slice %arg13[%dma_wait3A_163, %dma_wait3A_164] : memref<128x128xf32, #tpu.memory_space<vmem>> -> memref<120x128xf32, #tpu.memory_space<vmem>>
    %dma_wait3A_166 = arith.constant 0 : i32
    %dma_wait3A_167 = tpu.memref_slice %arg16[%add3A_162, %dma_wait3A_166] : memref<10112x128xf32, #tpu.memory_space<vmem_shared>> -> memref<120x128xf32, #tpu.memory_space<vmem_shared>>
    %dma_wait3A_168 = arith.constant 0 : i32
    %dma_wait3A_169 = tpu.memref_slice %arg16[%add3A_162, %dma_wait3A_168] : memref<10112x128xf32, #tpu.memory_space<vmem_shared>> -> memref<120x128xf32, #tpu.memory_space<vmem_shared>>
    %dma_wait3A_170 = arith.constant 0 : i32
    %dma_wait3A_171 = arith.constant 0 : i32
    %dma_wait3A_172 = tpu.memref_slice %arg13[%dma_wait3A_170, %dma_wait3A_171] : memref<128x128xf32, #tpu.memory_space<vmem>> -> memref<120x128xf32, #tpu.memory_space<vmem>>
    tpu.wait_dma2 semaphore(%arg26 : memref<!tpu.dma_semaphore, #tpu.memory_space<semaphore_mem>>) src(%dma_wait3A_172 : memref<120x128xf32, #tpu.memory_space<vmem>>) dst(%dma_wait3A_169 : memref<120x128xf32, #tpu.memory_space<vmem_shared>>)
    %dma_wait3A_173 = arith.constant 0 : i32
    %dma_wait3A_174 = tpu.memref_slice %arg3[%dma_wait3A_173] : memref<640000xi32, #tpu.memory_space<hbm>> -> memref<128xi32, #tpu.memory_space<hbm>>
    %dma_wait3A_175 = arith.constant 0 : i32
    %dma_wait3A_176 = tpu.memref_slice %arg3[%dma_wait3A_175] : memref<640000xi32, #tpu.memory_space<hbm>> -> memref<128xi32, #tpu.memory_space<hbm>>
    tpu.wait_dma2 semaphore(%arg17 : memref<!tpu.dma_semaphore, #tpu.memory_space<semaphore_mem>>) src(%dma_wait3A_176 : memref<128xi32, #tpu.memory_space<hbm>>) dst(%arg5 : memref<128xi32, #tpu.memory_space<vmem>>)
    %dma_wait3A_177 = arith.constant 0 : i32
    %dma_wait3A_178 = tpu.memref_slice %arg3[%dma_wait3A_177] : memref<640000xi32, #tpu.memory_space<hbm>> -> memref<128xi32, #tpu.memory_space<hbm>>
    %dma_wait3A_179 = arith.constant 0 : i32
    %dma_wait3A_180 = tpu.memref_slice %arg3[%dma_wait3A_179] : memref<640000xi32, #tpu.memory_space<hbm>> -> memref<128xi32, #tpu.memory_space<hbm>>
    tpu.wait_dma2 semaphore(%arg17 : memref<!tpu.dma_semaphore, #tpu.memory_space<semaphore_mem>>) src(%dma_wait3A_180 : memref<128xi32, #tpu.memory_space<hbm>>) dst(%arg8 : memref<128xi32, #tpu.memory_space<vmem>>)
    %dma_start3A_181 = arith.constant 0 : i32
    %dma_start3A_182 = arith.constant 0 : i32
    %dma_start3A_183 = tpu.memref_slice %arg13[%dma_start3A_181, %dma_start3A_182] : memref<128x128xf32, #tpu.memory_space<vmem>> -> memref<64x128xf32, #tpu.memory_space<vmem>>
    %dma_start3A_184 = arith.constant 0 : i32
    %dma_start3A_185 = tpu.memref_slice %arg5[%dma_start3A_184] : memref<128xi32, #tpu.memory_space<vmem>> -> memref<64xi32, #tpu.memory_space<vmem>>
    %dma_start3A_186 = arith.constant 0 : i32
    %dma_start3A_187 = arith.constant 0 : i32
    %dma_start3A_188 = tpu.memref_slice %arg2[%dma_start3A_186, %dma_start3A_187] : memref<10000x128xf32, #tpu.memory_space<hbm>> -> memref<10000x128xf32, #tpu.memory_space<hbm>>
    tpu.enqueue_indirect_dma source(%dma_start3A_188 : memref<10000x128xf32, #tpu.memory_space<hbm>>) target(%dma_start3A_183 : memref<64x128xf32, #tpu.memory_space<vmem>>) offsets(%dma_start3A_185 : memref<64xi32, #tpu.memory_space<vmem>>) semaphore(%arg20 : memref<!tpu.dma_semaphore, #tpu.memory_space<semaphore_mem>>)
    %dma_start3A_189 = arith.constant 64 : i32
    %dma_start3A_190 = arith.constant 0 : i32
    %dma_start3A_191 = tpu.memref_slice %arg13[%dma_start3A_189, %dma_start3A_190] : memref<128x128xf32, #tpu.memory_space<vmem>> -> memref<64x128xf32, #tpu.memory_space<vmem>>
    %dma_start3A_192 = arith.constant 64 : i32
    %dma_start3A_193 = tpu.memref_slice %arg5[%dma_start3A_192] : memref<128xi32, #tpu.memory_space<vmem>> -> memref<64xi32, #tpu.memory_space<vmem>>
    %dma_start3A_194 = arith.constant 0 : i32
    %dma_start3A_195 = arith.constant 0 : i32
    %dma_start3A_196 = tpu.memref_slice %arg2[%dma_start3A_194, %dma_start3A_195] : memref<10000x128xf32, #tpu.memory_space<hbm>> -> memref<10000x128xf32, #tpu.memory_space<hbm>>
    tpu.enqueue_indirect_dma source(%dma_start3A_196 : memref<10000x128xf32, #tpu.memory_space<hbm>>) target(%dma_start3A_191 : memref<64x128xf32, #tpu.memory_space<vmem>>) offsets(%dma_start3A_193 : memref<64xi32, #tpu.memory_space<vmem>>) semaphore(%arg20 : memref<!tpu.dma_semaphore, #tpu.memory_space<semaphore_mem>>)
    %dma_wait3A_197 = arith.constant 0 : i32
    %dma_wait3A_198 = tpu.memref_slice %arg3[%dma_wait3A_197] : memref<640000xi32, #tpu.memory_space<hbm>> -> memref<128xi32, #tpu.memory_space<hbm>>
    %dma_wait3A_199 = arith.constant 0 : i32
    %dma_wait3A_200 = tpu.memref_slice %arg3[%dma_wait3A_199] : memref<640000xi32, #tpu.memory_space<hbm>> -> memref<128xi32, #tpu.memory_space<hbm>>
    tpu.wait_dma2 semaphore(%arg18 : memref<!tpu.dma_semaphore, #tpu.memory_space<semaphore_mem>>) src(%dma_wait3A_200 : memref<128xi32, #tpu.memory_space<hbm>>) dst(%arg6 : memref<128xi32, #tpu.memory_space<vmem>>)
    %dma_wait3A_201 = arith.constant 0 : i32
    %dma_wait3A_202 = tpu.memref_slice %arg3[%dma_wait3A_201] : memref<640000xi32, #tpu.memory_space<hbm>> -> memref<128xi32, #tpu.memory_space<hbm>>
    %dma_wait3A_203 = arith.constant 0 : i32
    %dma_wait3A_204 = tpu.memref_slice %arg3[%dma_wait3A_203] : memref<640000xi32, #tpu.memory_space<hbm>> -> memref<128xi32, #tpu.memory_space<hbm>>
    tpu.wait_dma2 semaphore(%arg18 : memref<!tpu.dma_semaphore, #tpu.memory_space<semaphore_mem>>) src(%dma_wait3A_204 : memref<128xi32, #tpu.memory_space<hbm>>) dst(%arg9 : memref<128xi32, #tpu.memory_space<vmem>>)
    %dma_start3A_205 = arith.constant 0 : i32
    %dma_start3A_206 = arith.constant 0 : i32
    %dma_start3A_207 = tpu.memref_slice %arg14[%dma_start3A_205, %dma_start3A_206] : memref<128x128xf32, #tpu.memory_space<vmem>> -> memref<64x128xf32, #tpu.memory_space<vmem>>
    %dma_start3A_208 = arith.constant 0 : i32
    %dma_start3A_209 = tpu.memref_slice %arg6[%dma_start3A_208] : memref<128xi32, #tpu.memory_space<vmem>> -> memref<64xi32, #tpu.memory_space<vmem>>
    %dma_start3A_210 = arith.constant 0 : i32
    %dma_start3A_211 = arith.constant 0 : i32
    %dma_start3A_212 = tpu.memref_slice %arg2[%dma_start3A_210, %dma_start3A_211] : memref<10000x128xf32, #tpu.memory_space<hbm>> -> memref<10000x128xf32, #tpu.memory_space<hbm>>
    tpu.enqueue_indirect_dma source(%dma_start3A_212 : memref<10000x128xf32, #tpu.memory_space<hbm>>) target(%dma_start3A_207 : memref<64x128xf32, #tpu.memory_space<vmem>>) offsets(%dma_start3A_209 : memref<64xi32, #tpu.memory_space<vmem>>) semaphore(%arg21 : memref<!tpu.dma_semaphore, #tpu.memory_space<semaphore_mem>>)
    %dma_start3A_213 = arith.constant 64 : i32
    %dma_start3A_214 = arith.constant 0 : i32
    %dma_start3A_215 = tpu.memref_slice %arg14[%dma_start3A_213, %dma_start3A_214] : memref<128x128xf32, #tpu.memory_space<vmem>> -> memref<64x128xf32, #tpu.memory_space<vmem>>
    %dma_start3A_216 = arith.constant 64 : i32
    %dma_start3A_217 = tpu.memref_slice %arg6[%dma_start3A_216] : memref<128xi32, #tpu.memory_space<vmem>> -> memref<64xi32, #tpu.memory_space<vmem>>
    %dma_start3A_218 = arith.constant 0 : i32
    %dma_start3A_219 = arith.constant 0 : i32
    %dma_start3A_220 = tpu.memref_slice %arg2[%dma_start3A_218, %dma_start3A_219] : memref<10000x128xf32, #tpu.memory_space<hbm>> -> memref<10000x128xf32, #tpu.memory_space<hbm>>
    tpu.enqueue_indirect_dma source(%dma_start3A_220 : memref<10000x128xf32, #tpu.memory_space<hbm>>) target(%dma_start3A_215 : memref<64x128xf32, #tpu.memory_space<vmem>>) offsets(%dma_start3A_217 : memref<64xi32, #tpu.memory_space<vmem>>) semaphore(%arg21 : memref<!tpu.dma_semaphore, #tpu.memory_space<semaphore_mem>>)
    %barrier3A = arith.constant 0 : index
    tpu.barrier barrier_id(%barrier3A)
    %scan3A_221 = arith.constant 0 : i32
    %scan3A_222 = arith.constant 0 : i32
    %scan3A_223 = arith.constant 25 : i32
    %scan3A_224 = arith.addi %scan3A_222, %scan3A_223 : i32
    %scan3A_225 = arith.constant 1 : i32
    scf.for %scan3A_328 = %scan3A_222 to %scan3A_224 step %scan3A_225  : i32 {
      %mul3A_329 = arith.constant 3 : i32
      %mul3A_330 = arith.muli %mul3A_329, %scan3A_328 : i32
      %add3A_331 = arith.constant 0 : i32
      %add3A_332 = arith.addi %mul3A_330, %add3A_331 : i32
      %dma_wait3A_333 = arith.constant 0 : i32
      %dma_wait3A_334 = arith.constant 0 : i32
      %dma_wait3A_335 = tpu.memref_slice %arg13[%dma_wait3A_333, %dma_wait3A_334] : memref<128x128xf32, #tpu.memory_space<vmem>> -> memref<64x128xf32, #tpu.memory_space<vmem>>
      %dma_wait3A_336 = arith.constant 0 : i32
      %dma_wait3A_337 = tpu.memref_slice %arg5[%dma_wait3A_336] : memref<128xi32, #tpu.memory_space<vmem>> -> memref<64xi32, #tpu.memory_space<vmem>>
      %dma_wait3A_338 = arith.constant 0 : i32
      %dma_wait3A_339 = arith.constant 0 : i32
      %dma_wait3A_340 = tpu.memref_slice %arg2[%dma_wait3A_338, %dma_wait3A_339] : memref<10000x128xf32, #tpu.memory_space<hbm>> -> memref<10000x128xf32, #tpu.memory_space<hbm>>
      tpu.wait_indirect_dma semaphore(%arg20 : memref<!tpu.dma_semaphore, #tpu.memory_space<semaphore_mem>>) src(%dma_wait3A_340 : memref<10000x128xf32, #tpu.memory_space<hbm>>) dst(%dma_wait3A_335 : memref<64x128xf32, #tpu.memory_space<vmem>>)
      %dma_wait3A_341 = arith.constant 64 : i32
      %dma_wait3A_342 = arith.constant 0 : i32
      %dma_wait3A_343 = tpu.memref_slice %arg13[%dma_wait3A_341, %dma_wait3A_342] : memref<128x128xf32, #tpu.memory_space<vmem>> -> memref<64x128xf32, #tpu.memory_space<vmem>>
      %dma_wait3A_344 = arith.constant 64 : i32
      %dma_wait3A_345 = tpu.memref_slice %arg5[%dma_wait3A_344] : memref<128xi32, #tpu.memory_space<vmem>> -> memref<64xi32, #tpu.memory_space<vmem>>
      %dma_wait3A_346 = arith.constant 0 : i32
      %dma_wait3A_347 = arith.constant 0 : i32
      %dma_wait3A_348 = tpu.memref_slice %arg2[%dma_wait3A_346, %dma_wait3A_347] : memref<10000x128xf32, #tpu.memory_space<hbm>> -> memref<10000x128xf32, #tpu.memory_space<hbm>>
      tpu.wait_indirect_dma semaphore(%arg20 : memref<!tpu.dma_semaphore, #tpu.memory_space<semaphore_mem>>) src(%dma_wait3A_348 : memref<10000x128xf32, #tpu.memory_space<hbm>>) dst(%dma_wait3A_343 : memref<64x128xf32, #tpu.memory_space<vmem>>)
      "tpu.region"() ({
        %run_scoped3A = tpu.sem_alloc : memref<!tpu.dma_semaphore, #tpu.memory_space<semaphore_mem>>
        %dma_start3A_497 = arith.constant 0 : i32
        %dma_start3A_498 = arith.constant 0 : i32
        %dma_start3A_499 = tpu.memref_slice %arg16[%dma_start3A_497, %dma_start3A_498] : memref<10112x128xf32, #tpu.memory_space<vmem_shared>> -> memref<10112x128xf32, #tpu.memory_space<vmem_shared>>
        tpu.enqueue_indirect_dma source(%arg13 : memref<128x128xf32, #tpu.memory_space<vmem>>) target(%dma_start3A_499 : memref<10112x128xf32, #tpu.memory_space<vmem_shared>>) offsets(%arg8 : memref<128xi32, #tpu.memory_space<vmem>>) semaphore(%run_scoped3A : memref<!tpu.dma_semaphore, #tpu.memory_space<semaphore_mem>>) {add = true}
        %dma_wait3A_500 = arith.constant 0 : i32
        %dma_wait3A_501 = arith.constant 0 : i32
        %dma_wait3A_502 = tpu.memref_slice %arg16[%dma_wait3A_500, %dma_wait3A_501] : memref<10112x128xf32, #tpu.memory_space<vmem_shared>> -> memref<10112x128xf32, #tpu.memory_space<vmem_shared>>
        tpu.wait_indirect_dma semaphore(%run_scoped3A : memref<!tpu.dma_semaphore, #tpu.memory_space<semaphore_mem>>) src(%arg13 : memref<128x128xf32, #tpu.memory_space<vmem>>) dst(%dma_wait3A_502 : memref<10112x128xf32, #tpu.memory_space<vmem_shared>>)
        tpu.yield
      }) : () -> ()
      %add3A_349 = arith.constant 3 : i32
      %add3A_350 = arith.addi %add3A_332, %add3A_349 : i32
      %mul3A_351 = arith.constant 128 : i32
      %mul3A_352 = arith.muli %add3A_350, %mul3A_351 : i32
      %add3A_353 = arith.addi %mul3A_2, %mul3A_352 : i32
      %dma_start3A_354 = tpu.memref_slice %arg3[%add3A_353] : memref<640000xi32, #tpu.memory_space<hbm>> -> memref<128xi32, #tpu.memory_space<hbm>>
      %dma_start3A_355 = tpu.memref_slice %arg3[%add3A_353] : memref<640000xi32, #tpu.memory_space<hbm>> -> memref<128xi32, #tpu.memory_space<hbm>>
      tpu.enqueue_dma source(%dma_start3A_355 : memref<128xi32, #tpu.memory_space<hbm>>) target(%arg5 : memref<128xi32, #tpu.memory_space<vmem>>) target_semaphore(%arg17 : memref<!tpu.dma_semaphore, #tpu.memory_space<semaphore_mem>>)
      %mul3A_356 = arith.constant 128 : i32
      %mul3A_357 = arith.muli %add3A_350, %mul3A_356 : i32
      %add3A_358 = arith.addi %add3A_4, %mul3A_357 : i32
      %dma_start3A_359 = tpu.memref_slice %arg3[%add3A_358] : memref<640000xi32, #tpu.memory_space<hbm>> -> memref<128xi32, #tpu.memory_space<hbm>>
      %dma_start3A_360 = tpu.memref_slice %arg3[%add3A_358] : memref<640000xi32, #tpu.memory_space<hbm>> -> memref<128xi32, #tpu.memory_space<hbm>>
      tpu.enqueue_dma source(%dma_start3A_360 : memref<128xi32, #tpu.memory_space<hbm>>) target(%arg8 : memref<128xi32, #tpu.memory_space<vmem>>) target_semaphore(%arg17 : memref<!tpu.dma_semaphore, #tpu.memory_space<semaphore_mem>>)
      %dma_wait3A_361 = arith.constant 0 : i32
      %dma_wait3A_362 = tpu.memref_slice %arg3[%dma_wait3A_361] : memref<640000xi32, #tpu.memory_space<hbm>> -> memref<128xi32, #tpu.memory_space<hbm>>
      %dma_wait3A_363 = arith.constant 0 : i32
      %dma_wait3A_364 = tpu.memref_slice %arg3[%dma_wait3A_363] : memref<640000xi32, #tpu.memory_space<hbm>> -> memref<128xi32, #tpu.memory_space<hbm>>
      tpu.wait_dma2 semaphore(%arg19 : memref<!tpu.dma_semaphore, #tpu.memory_space<semaphore_mem>>) src(%dma_wait3A_364 : memref<128xi32, #tpu.memory_space<hbm>>) dst(%arg7 : memref<128xi32, #tpu.memory_space<vmem>>)
      %dma_wait3A_365 = arith.constant 0 : i32
      %dma_wait3A_366 = tpu.memref_slice %arg3[%dma_wait3A_365] : memref<640000xi32, #tpu.memory_space<hbm>> -> memref<128xi32, #tpu.memory_space<hbm>>
      %dma_wait3A_367 = arith.constant 0 : i32
      %dma_wait3A_368 = tpu.memref_slice %arg3[%dma_wait3A_367] : memref<640000xi32, #tpu.memory_space<hbm>> -> memref<128xi32, #tpu.memory_space<hbm>>
      tpu.wait_dma2 semaphore(%arg19 : memref<!tpu.dma_semaphore, #tpu.memory_space<semaphore_mem>>) src(%dma_wait3A_368 : memref<128xi32, #tpu.memory_space<hbm>>) dst(%arg10 : memref<128xi32, #tpu.memory_space<vmem>>)
      %dma_start3A_369 = arith.constant 0 : i32
      %dma_start3A_370 = arith.constant 0 : i32
      %dma_start3A_371 = tpu.memref_slice %arg15[%dma_start3A_369, %dma_start3A_370] : memref<128x128xf32, #tpu.memory_space<vmem>> -> memref<64x128xf32, #tpu.memory_space<vmem>>
      %dma_start3A_372 = arith.constant 0 : i32
      %dma_start3A_373 = tpu.memref_slice %arg7[%dma_start3A_372] : memref<128xi32, #tpu.memory_space<vmem>> -> memref<64xi32, #tpu.memory_space<vmem>>
      %dma_start3A_374 = arith.constant 0 : i32
      %dma_start3A_375 = arith.constant 0 : i32
      %dma_start3A_376 = tpu.memref_slice %arg2[%dma_start3A_374, %dma_start3A_375] : memref<10000x128xf32, #tpu.memory_space<hbm>> -> memref<10000x128xf32, #tpu.memory_space<hbm>>
      tpu.enqueue_indirect_dma source(%dma_start3A_376 : memref<10000x128xf32, #tpu.memory_space<hbm>>) target(%dma_start3A_371 : memref<64x128xf32, #tpu.memory_space<vmem>>) offsets(%dma_start3A_373 : memref<64xi32, #tpu.memory_space<vmem>>) semaphore(%arg22 : memref<!tpu.dma_semaphore, #tpu.memory_space<semaphore_mem>>)
      %dma_start3A_377 = arith.constant 64 : i32
      %dma_start3A_378 = arith.constant 0 : i32
      %dma_start3A_379 = tpu.memref_slice %arg15[%dma_start3A_377, %dma_start3A_378] : memref<128x128xf32, #tpu.memory_space<vmem>> -> memref<64x128xf32, #tpu.memory_space<vmem>>
      %dma_start3A_380 = arith.constant 64 : i32
      %dma_start3A_381 = tpu.memref_slice %arg7[%dma_start3A_380] : memref<128xi32, #tpu.memory_space<vmem>> -> memref<64xi32, #tpu.memory_space<vmem>>
      %dma_start3A_382 = arith.constant 0 : i32
      %dma_start3A_383 = arith.constant 0 : i32
      %dma_start3A_384 = tpu.memref_slice %arg2[%dma_start3A_382, %dma_start3A_383] : memref<10000x128xf32, #tpu.memory_space<hbm>> -> memref<10000x128xf32, #tpu.memory_space<hbm>>
      tpu.enqueue_indirect_dma source(%dma_start3A_384 : memref<10000x128xf32, #tpu.memory_space<hbm>>) target(%dma_start3A_379 : memref<64x128xf32, #tpu.memory_space<vmem>>) offsets(%dma_start3A_381 : memref<64xi32, #tpu.memory_space<vmem>>) semaphore(%arg22 : memref<!tpu.dma_semaphore, #tpu.memory_space<semaphore_mem>>)
      %mul3A_385 = arith.constant 3 : i32
      %mul3A_386 = arith.muli %mul3A_385, %scan3A_328 : i32
      %add3A_387 = arith.constant 1 : i32
      %add3A_388 = arith.addi %mul3A_386, %add3A_387 : i32
      %dma_wait3A_389 = arith.constant 0 : i32
      %dma_wait3A_390 = arith.constant 0 : i32
      %dma_wait3A_391 = tpu.memref_slice %arg14[%dma_wait3A_389, %dma_wait3A_390] : memref<128x128xf32, #tpu.memory_space<vmem>> -> memref<64x128xf32, #tpu.memory_space<vmem>>
      %dma_wait3A_392 = arith.constant 0 : i32
      %dma_wait3A_393 = tpu.memref_slice %arg6[%dma_wait3A_392] : memref<128xi32, #tpu.memory_space<vmem>> -> memref<64xi32, #tpu.memory_space<vmem>>
      %dma_wait3A_394 = arith.constant 0 : i32
      %dma_wait3A_395 = arith.constant 0 : i32
      %dma_wait3A_396 = tpu.memref_slice %arg2[%dma_wait3A_394, %dma_wait3A_395] : memref<10000x128xf32, #tpu.memory_space<hbm>> -> memref<10000x128xf32, #tpu.memory_space<hbm>>
      tpu.wait_indirect_dma semaphore(%arg21 : memref<!tpu.dma_semaphore, #tpu.memory_space<semaphore_mem>>) src(%dma_wait3A_396 : memref<10000x128xf32, #tpu.memory_space<hbm>>) dst(%dma_wait3A_391 : memref<64x128xf32, #tpu.memory_space<vmem>>)
      %dma_wait3A_397 = arith.constant 64 : i32
      %dma_wait3A_398 = arith.constant 0 : i32
      %dma_wait3A_399 = tpu.memref_slice %arg14[%dma_wait3A_397, %dma_wait3A_398] : memref<128x128xf32, #tpu.memory_space<vmem>> -> memref<64x128xf32, #tpu.memory_space<vmem>>
      %dma_wait3A_400 = arith.constant 64 : i32
      %dma_wait3A_401 = tpu.memref_slice %arg6[%dma_wait3A_400] : memref<128xi32, #tpu.memory_space<vmem>> -> memref<64xi32, #tpu.memory_space<vmem>>
      %dma_wait3A_402 = arith.constant 0 : i32
      %dma_wait3A_403 = arith.constant 0 : i32
      %dma_wait3A_404 = tpu.memref_slice %arg2[%dma_wait3A_402, %dma_wait3A_403] : memref<10000x128xf32, #tpu.memory_space<hbm>> -> memref<10000x128xf32, #tpu.memory_space<hbm>>
      tpu.wait_indirect_dma semaphore(%arg21 : memref<!tpu.dma_semaphore, #tpu.memory_space<semaphore_mem>>) src(%dma_wait3A_404 : memref<10000x128xf32, #tpu.memory_space<hbm>>) dst(%dma_wait3A_399 : memref<64x128xf32, #tpu.memory_space<vmem>>)
      "tpu.region"() ({
        %run_scoped3A = tpu.sem_alloc : memref<!tpu.dma_semaphore, #tpu.memory_space<semaphore_mem>>
        %dma_start3A_497 = arith.constant 0 : i32
        %dma_start3A_498 = arith.constant 0 : i32
        %dma_start3A_499 = tpu.memref_slice %arg16[%dma_start3A_497, %dma_start3A_498] : memref<10112x128xf32, #tpu.memory_space<vmem_shared>> -> memref<10112x128xf32, #tpu.memory_space<vmem_shared>>
        tpu.enqueue_indirect_dma source(%arg14 : memref<128x128xf32, #tpu.memory_space<vmem>>) target(%dma_start3A_499 : memref<10112x128xf32, #tpu.memory_space<vmem_shared>>) offsets(%arg9 : memref<128xi32, #tpu.memory_space<vmem>>) semaphore(%run_scoped3A : memref<!tpu.dma_semaphore, #tpu.memory_space<semaphore_mem>>) {add = true}
        %dma_wait3A_500 = arith.constant 0 : i32
        %dma_wait3A_501 = arith.constant 0 : i32
        %dma_wait3A_502 = tpu.memref_slice %arg16[%dma_wait3A_500, %dma_wait3A_501] : memref<10112x128xf32, #tpu.memory_space<vmem_shared>> -> memref<10112x128xf32, #tpu.memory_space<vmem_shared>>
        tpu.wait_indirect_dma semaphore(%run_scoped3A : memref<!tpu.dma_semaphore, #tpu.memory_space<semaphore_mem>>) src(%arg14 : memref<128x128xf32, #tpu.memory_space<vmem>>) dst(%dma_wait3A_502 : memref<10112x128xf32, #tpu.memory_space<vmem_shared>>)
        tpu.yield
      }) : () -> ()
      %add3A_405 = arith.constant 3 : i32
      %add3A_406 = arith.addi %add3A_388, %add3A_405 : i32
      %mul3A_407 = arith.constant 128 : i32
      %mul3A_408 = arith.muli %add3A_406, %mul3A_407 : i32
      %add3A_409 = arith.addi %mul3A_2, %mul3A_408 : i32
      %dma_start3A_410 = tpu.memref_slice %arg3[%add3A_409] : memref<640000xi32, #tpu.memory_space<hbm>> -> memref<128xi32, #tpu.memory_space<hbm>>
      %dma_start3A_411 = tpu.memref_slice %arg3[%add3A_409] : memref<640000xi32, #tpu.memory_space<hbm>> -> memref<128xi32, #tpu.memory_space<hbm>>
      tpu.enqueue_dma source(%dma_start3A_411 : memref<128xi32, #tpu.memory_space<hbm>>) target(%arg6 : memref<128xi32, #tpu.memory_space<vmem>>) target_semaphore(%arg18 : memref<!tpu.dma_semaphore, #tpu.memory_space<semaphore_mem>>)
      %mul3A_412 = arith.constant 128 : i32
      %mul3A_413 = arith.muli %add3A_406, %mul3A_412 : i32
      %add3A_414 = arith.addi %add3A_4, %mul3A_413 : i32
      %dma_start3A_415 = tpu.memref_slice %arg3[%add3A_414] : memref<640000xi32, #tpu.memory_space<hbm>> -> memref<128xi32, #tpu.memory_space<hbm>>
      %dma_start3A_416 = tpu.memref_slice %arg3[%add3A_414] : memref<640000xi32, #tpu.memory_space<hbm>> -> memref<128xi32, #tpu.memory_space<hbm>>
      tpu.enqueue_dma source(%dma_start3A_416 : memref<128xi32, #tpu.memory_space<hbm>>) target(%arg9 : memref<128xi32, #tpu.memory_space<vmem>>) target_semaphore(%arg18 : memref<!tpu.dma_semaphore, #tpu.memory_space<semaphore_mem>>)
      %dma_wait3A_417 = arith.constant 0 : i32
      %dma_wait3A_418 = tpu.memref_slice %arg3[%dma_wait3A_417] : memref<640000xi32, #tpu.memory_space<hbm>> -> memref<128xi32, #tpu.memory_space<hbm>>
      %dma_wait3A_419 = arith.constant 0 : i32
      %dma_wait3A_420 = tpu.memref_slice %arg3[%dma_wait3A_419] : memref<640000xi32, #tpu.memory_space<hbm>> -> memref<128xi32, #tpu.memory_space<hbm>>
      tpu.wait_dma2 semaphore(%arg17 : memref<!tpu.dma_semaphore, #tpu.memory_space<semaphore_mem>>) src(%dma_wait3A_420 : memref<128xi32, #tpu.memory_space<hbm>>) dst(%arg5 : memref<128xi32, #tpu.memory_space<vmem>>)
      %dma_wait3A_421 = arith.constant 0 : i32
      %dma_wait3A_422 = tpu.memref_slice %arg3[%dma_wait3A_421] : memref<640000xi32, #tpu.memory_space<hbm>> -> memref<128xi32, #tpu.memory_space<hbm>>
      %dma_wait3A_423 = arith.constant 0 : i32
      %dma_wait3A_424 = tpu.memref_slice %arg3[%dma_wait3A_423] : memref<640000xi32, #tpu.memory_space<hbm>> -> memref<128xi32, #tpu.memory_space<hbm>>
      tpu.wait_dma2 semaphore(%arg17 : memref<!tpu.dma_semaphore, #tpu.memory_space<semaphore_mem>>) src(%dma_wait3A_424 : memref<128xi32, #tpu.memory_space<hbm>>) dst(%arg8 : memref<128xi32, #tpu.memory_space<vmem>>)
      %dma_start3A_425 = arith.constant 0 : i32
      %dma_start3A_426 = arith.constant 0 : i32
      %dma_start3A_427 = tpu.memref_slice %arg13[%dma_start3A_425, %dma_start3A_426] : memref<128x128xf32, #tpu.memory_space<vmem>> -> memref<64x128xf32, #tpu.memory_space<vmem>>
      %dma_start3A_428 = arith.constant 0 : i32
      %dma_start3A_429 = tpu.memref_slice %arg5[%dma_start3A_428] : memref<128xi32, #tpu.memory_space<vmem>> -> memref<64xi32, #tpu.memory_space<vmem>>
      %dma_start3A_430 = arith.constant 0 : i32
      %dma_start3A_431 = arith.constant 0 : i32
      %dma_start3A_432 = tpu.memref_slice %arg2[%dma_start3A_430, %dma_start3A_431] : memref<10000x128xf32, #tpu.memory_space<hbm>> -> memref<10000x128xf32, #tpu.memory_space<hbm>>
      tpu.enqueue_indirect_dma source(%dma_start3A_432 : memref<10000x128xf32, #tpu.memory_space<hbm>>) target(%dma_start3A_427 : memref<64x128xf32, #tpu.memory_space<vmem>>) offsets(%dma_start3A_429 : memref<64xi32, #tpu.memory_space<vmem>>) semaphore(%arg20 : memref<!tpu.dma_semaphore, #tpu.memory_space<semaphore_mem>>)
      %dma_start3A_433 = arith.constant 64 : i32
      %dma_start3A_434 = arith.constant 0 : i32
      %dma_start3A_435 = tpu.memref_slice %arg13[%dma_start3A_433, %dma_start3A_434] : memref<128x128xf32, #tpu.memory_space<vmem>> -> memref<64x128xf32, #tpu.memory_space<vmem>>
      %dma_start3A_436 = arith.constant 64 : i32
      %dma_start3A_437 = tpu.memref_slice %arg5[%dma_start3A_436] : memref<128xi32, #tpu.memory_space<vmem>> -> memref<64xi32, #tpu.memory_space<vmem>>
      %dma_start3A_438 = arith.constant 0 : i32
      %dma_start3A_439 = arith.constant 0 : i32
      %dma_start3A_440 = tpu.memref_slice %arg2[%dma_start3A_438, %dma_start3A_439] : memref<10000x128xf32, #tpu.memory_space<hbm>> -> memref<10000x128xf32, #tpu.memory_space<hbm>>
      tpu.enqueue_indirect_dma source(%dma_start3A_440 : memref<10000x128xf32, #tpu.memory_space<hbm>>) target(%dma_start3A_435 : memref<64x128xf32, #tpu.memory_space<vmem>>) offsets(%dma_start3A_437 : memref<64xi32, #tpu.memory_space<vmem>>) semaphore(%arg20 : memref<!tpu.dma_semaphore, #tpu.memory_space<semaphore_mem>>)
      %mul3A_441 = arith.constant 3 : i32
      %mul3A_442 = arith.muli %mul3A_441, %scan3A_328 : i32
      %add3A_443 = arith.constant 2 : i32
      %add3A_444 = arith.addi %mul3A_442, %add3A_443 : i32
      %dma_wait3A_445 = arith.constant 0 : i32
      %dma_wait3A_446 = arith.constant 0 : i32
      %dma_wait3A_447 = tpu.memref_slice %arg15[%dma_wait3A_445, %dma_wait3A_446] : memref<128x128xf32, #tpu.memory_space<vmem>> -> memref<64x128xf32, #tpu.memory_space<vmem>>
      %dma_wait3A_448 = arith.constant 0 : i32
      %dma_wait3A_449 = tpu.memref_slice %arg7[%dma_wait3A_448] : memref<128xi32, #tpu.memory_space<vmem>> -> memref<64xi32, #tpu.memory_space<vmem>>
      %dma_wait3A_450 = arith.constant 0 : i32
      %dma_wait3A_451 = arith.constant 0 : i32
      %dma_wait3A_452 = tpu.memref_slice %arg2[%dma_wait3A_450, %dma_wait3A_451] : memref<10000x128xf32, #tpu.memory_space<hbm>> -> memref<10000x128xf32, #tpu.memory_space<hbm>>
      tpu.wait_indirect_dma semaphore(%arg22 : memref<!tpu.dma_semaphore, #tpu.memory_space<semaphore_mem>>) src(%dma_wait3A_452 : memref<10000x128xf32, #tpu.memory_space<hbm>>) dst(%dma_wait3A_447 : memref<64x128xf32, #tpu.memory_space<vmem>>)
      %dma_wait3A_453 = arith.constant 64 : i32
      %dma_wait3A_454 = arith.constant 0 : i32
      %dma_wait3A_455 = tpu.memref_slice %arg15[%dma_wait3A_453, %dma_wait3A_454] : memref<128x128xf32, #tpu.memory_space<vmem>> -> memref<64x128xf32, #tpu.memory_space<vmem>>
      %dma_wait3A_456 = arith.constant 64 : i32
      %dma_wait3A_457 = tpu.memref_slice %arg7[%dma_wait3A_456] : memref<128xi32, #tpu.memory_space<vmem>> -> memref<64xi32, #tpu.memory_space<vmem>>
      %dma_wait3A_458 = arith.constant 0 : i32
      %dma_wait3A_459 = arith.constant 0 : i32
      %dma_wait3A_460 = tpu.memref_slice %arg2[%dma_wait3A_458, %dma_wait3A_459] : memref<10000x128xf32, #tpu.memory_space<hbm>> -> memref<10000x128xf32, #tpu.memory_space<hbm>>
      tpu.wait_indirect_dma semaphore(%arg22 : memref<!tpu.dma_semaphore, #tpu.memory_space<semaphore_mem>>) src(%dma_wait3A_460 : memref<10000x128xf32, #tpu.memory_space<hbm>>) dst(%dma_wait3A_455 : memref<64x128xf32, #tpu.memory_space<vmem>>)
      "tpu.region"() ({
        %run_scoped3A = tpu.sem_alloc : memref<!tpu.dma_semaphore, #tpu.memory_space<semaphore_mem>>
        %dma_start3A_497 = arith.constant 0 : i32
        %dma_start3A_498 = arith.constant 0 : i32
        %dma_start3A_499 = tpu.memref_slice %arg16[%dma_start3A_497, %dma_start3A_498] : memref<10112x128xf32, #tpu.memory_space<vmem_shared>> -> memref<10112x128xf32, #tpu.memory_space<vmem_shared>>
        tpu.enqueue_indirect_dma source(%arg15 : memref<128x128xf32, #tpu.memory_space<vmem>>) target(%dma_start3A_499 : memref<10112x128xf32, #tpu.memory_space<vmem_shared>>) offsets(%arg10 : memref<128xi32, #tpu.memory_space<vmem>>) semaphore(%run_scoped3A : memref<!tpu.dma_semaphore, #tpu.memory_space<semaphore_mem>>) {add = true}
        %dma_wait3A_500 = arith.constant 0 : i32
        %dma_wait3A_501 = arith.constant 0 : i32
        %dma_wait3A_502 = tpu.memref_slice %arg16[%dma_wait3A_500, %dma_wait3A_501] : memref<10112x128xf32, #tpu.memory_space<vmem_shared>> -> memref<10112x128xf32, #tpu.memory_space<vmem_shared>>
        tpu.wait_indirect_dma semaphore(%run_scoped3A : memref<!tpu.dma_semaphore, #tpu.memory_space<semaphore_mem>>) src(%arg15 : memref<128x128xf32, #tpu.memory_space<vmem>>) dst(%dma_wait3A_502 : memref<10112x128xf32, #tpu.memory_space<vmem_shared>>)
        tpu.yield
      }) : () -> ()
      %add3A_461 = arith.constant 3 : i32
      %add3A_462 = arith.addi %add3A_444, %add3A_461 : i32
      %mul3A_463 = arith.constant 128 : i32
      %mul3A_464 = arith.muli %add3A_462, %mul3A_463 : i32
      %add3A_465 = arith.addi %mul3A_2, %mul3A_464 : i32
      %dma_start3A_466 = tpu.memref_slice %arg3[%add3A_465] : memref<640000xi32, #tpu.memory_space<hbm>> -> memref<128xi32, #tpu.memory_space<hbm>>
      %dma_start3A_467 = tpu.memref_slice %arg3[%add3A_465] : memref<640000xi32, #tpu.memory_space<hbm>> -> memref<128xi32, #tpu.memory_space<hbm>>
      tpu.enqueue_dma source(%dma_start3A_467 : memref<128xi32, #tpu.memory_space<hbm>>) target(%arg7 : memref<128xi32, #tpu.memory_space<vmem>>) target_semaphore(%arg19 : memref<!tpu.dma_semaphore, #tpu.memory_space<semaphore_mem>>)
      %mul3A_468 = arith.constant 128 : i32
      %mul3A_469 = arith.muli %add3A_462, %mul3A_468 : i32
      %add3A_470 = arith.addi %add3A_4, %mul3A_469 : i32
      %dma_start3A_471 = tpu.memref_slice %arg3[%add3A_470] : memref<640000xi32, #tpu.memory_space<hbm>> -> memref<128xi32, #tpu.memory_space<hbm>>
      %dma_start3A_472 = tpu.memref_slice %arg3[%add3A_470] : memref<640000xi32, #tpu.memory_space<hbm>> -> memref<128xi32, #tpu.memory_space<hbm>>
      tpu.enqueue_dma source(%dma_start3A_472 : memref<128xi32, #tpu.memory_space<hbm>>) target(%arg10 : memref<128xi32, #tpu.memory_space<vmem>>) target_semaphore(%arg19 : memref<!tpu.dma_semaphore, #tpu.memory_space<semaphore_mem>>)
      %dma_wait3A_473 = arith.constant 0 : i32
      %dma_wait3A_474 = tpu.memref_slice %arg3[%dma_wait3A_473] : memref<640000xi32, #tpu.memory_space<hbm>> -> memref<128xi32, #tpu.memory_space<hbm>>
      %dma_wait3A_475 = arith.constant 0 : i32
      %dma_wait3A_476 = tpu.memref_slice %arg3[%dma_wait3A_475] : memref<640000xi32, #tpu.memory_space<hbm>> -> memref<128xi32, #tpu.memory_space<hbm>>
      tpu.wait_dma2 semaphore(%arg18 : memref<!tpu.dma_semaphore, #tpu.memory_space<semaphore_mem>>) src(%dma_wait3A_476 : memref<128xi32, #tpu.memory_space<hbm>>) dst(%arg6 : memref<128xi32, #tpu.memory_space<vmem>>)
      %dma_wait3A_477 = arith.constant 0 : i32
      %dma_wait3A_478 = tpu.memref_slice %arg3[%dma_wait3A_477] : memref<640000xi32, #tpu.memory_space<hbm>> -> memref<128xi32, #tpu.memory_space<hbm>>
      %dma_wait3A_479 = arith.constant 0 : i32
      %dma_wait3A_480 = tpu.memref_slice %arg3[%dma_wait3A_479] : memref<640000xi32, #tpu.memory_space<hbm>> -> memref<128xi32, #tpu.memory_space<hbm>>
      tpu.wait_dma2 semaphore(%arg18 : memref<!tpu.dma_semaphore, #tpu.memory_space<semaphore_mem>>) src(%dma_wait3A_480 : memref<128xi32, #tpu.memory_space<hbm>>) dst(%arg9 : memref<128xi32, #tpu.memory_space<vmem>>)
      %dma_start3A_481 = arith.constant 0 : i32
      %dma_start3A_482 = arith.constant 0 : i32
      %dma_start3A_483 = tpu.memref_slice %arg14[%dma_start3A_481, %dma_start3A_482] : memref<128x128xf32, #tpu.memory_space<vmem>> -> memref<64x128xf32, #tpu.memory_space<vmem>>
      %dma_start3A_484 = arith.constant 0 : i32
      %dma_start3A_485 = tpu.memref_slice %arg6[%dma_start3A_484] : memref<128xi32, #tpu.memory_space<vmem>> -> memref<64xi32, #tpu.memory_space<vmem>>
      %dma_start3A_486 = arith.constant 0 : i32
      %dma_start3A_487 = arith.constant 0 : i32
      %dma_start3A_488 = tpu.memref_slice %arg2[%dma_start3A_486, %dma_start3A_487] : memref<10000x128xf32, #tpu.memory_space<hbm>> -> memref<10000x128xf32, #tpu.memory_space<hbm>>
      tpu.enqueue_indirect_dma source(%dma_start3A_488 : memref<10000x128xf32, #tpu.memory_space<hbm>>) target(%dma_start3A_483 : memref<64x128xf32, #tpu.memory_space<vmem>>) offsets(%dma_start3A_485 : memref<64xi32, #tpu.memory_space<vmem>>) semaphore(%arg21 : memref<!tpu.dma_semaphore, #tpu.memory_space<semaphore_mem>>)
      %dma_start3A_489 = arith.constant 64 : i32
      %dma_start3A_490 = arith.constant 0 : i32
      %dma_start3A_491 = tpu.memref_slice %arg14[%dma_start3A_489, %dma_start3A_490] : memref<128x128xf32, #tpu.memory_space<vmem>> -> memref<64x128xf32, #tpu.memory_space<vmem>>
      %dma_start3A_492 = arith.constant 64 : i32
      %dma_start3A_493 = tpu.memref_slice %arg6[%dma_start3A_492] : memref<128xi32, #tpu.memory_space<vmem>> -> memref<64xi32, #tpu.memory_space<vmem>>
      %dma_start3A_494 = arith.constant 0 : i32
      %dma_start3A_495 = arith.constant 0 : i32
      %dma_start3A_496 = tpu.memref_slice %arg2[%dma_start3A_494, %dma_start3A_495] : memref<10000x128xf32, #tpu.memory_space<hbm>> -> memref<10000x128xf32, #tpu.memory_space<hbm>>
      tpu.enqueue_indirect_dma source(%dma_start3A_496 : memref<10000x128xf32, #tpu.memory_space<hbm>>) target(%dma_start3A_491 : memref<64x128xf32, #tpu.memory_space<vmem>>) offsets(%dma_start3A_493 : memref<64xi32, #tpu.memory_space<vmem>>) semaphore(%arg21 : memref<!tpu.dma_semaphore, #tpu.memory_space<semaphore_mem>>)
    }
    %scan3A_226 = arith.constant 25 : i32
    %dma_wait3A_227 = arith.constant 0 : i32
    %dma_wait3A_228 = arith.constant 0 : i32
    %dma_wait3A_229 = tpu.memref_slice %arg13[%dma_wait3A_227, %dma_wait3A_228] : memref<128x128xf32, #tpu.memory_space<vmem>> -> memref<64x128xf32, #tpu.memory_space<vmem>>
    %dma_wait3A_230 = arith.constant 0 : i32
    %dma_wait3A_231 = tpu.memref_slice %arg5[%dma_wait3A_230] : memref<128xi32, #tpu.memory_space<vmem>> -> memref<64xi32, #tpu.memory_space<vmem>>
    %dma_wait3A_232 = arith.constant 0 : i32
    %dma_wait3A_233 = arith.constant 0 : i32
    %dma_wait3A_234 = tpu.memref_slice %arg2[%dma_wait3A_232, %dma_wait3A_233] : memref<10000x128xf32, #tpu.memory_space<hbm>> -> memref<10000x128xf32, #tpu.memory_space<hbm>>
    tpu.wait_indirect_dma semaphore(%arg20 : memref<!tpu.dma_semaphore, #tpu.memory_space<semaphore_mem>>) src(%dma_wait3A_234 : memref<10000x128xf32, #tpu.memory_space<hbm>>) dst(%dma_wait3A_229 : memref<64x128xf32, #tpu.memory_space<vmem>>)
    %dma_wait3A_235 = arith.constant 64 : i32
    %dma_wait3A_236 = arith.constant 0 : i32
    %dma_wait3A_237 = tpu.memref_slice %arg13[%dma_wait3A_235, %dma_wait3A_236] : memref<128x128xf32, #tpu.memory_space<vmem>> -> memref<64x128xf32, #tpu.memory_space<vmem>>
    %dma_wait3A_238 = arith.constant 64 : i32
    %dma_wait3A_239 = tpu.memref_slice %arg5[%dma_wait3A_238] : memref<128xi32, #tpu.memory_space<vmem>> -> memref<64xi32, #tpu.memory_space<vmem>>
    %dma_wait3A_240 = arith.constant 0 : i32
    %dma_wait3A_241 = arith.constant 0 : i32
    %dma_wait3A_242 = tpu.memref_slice %arg2[%dma_wait3A_240, %dma_wait3A_241] : memref<10000x128xf32, #tpu.memory_space<hbm>> -> memref<10000x128xf32, #tpu.memory_space<hbm>>
    tpu.wait_indirect_dma semaphore(%arg20 : memref<!tpu.dma_semaphore, #tpu.memory_space<semaphore_mem>>) src(%dma_wait3A_242 : memref<10000x128xf32, #tpu.memory_space<hbm>>) dst(%dma_wait3A_237 : memref<64x128xf32, #tpu.memory_space<vmem>>)
    "tpu.region"() ({
      %run_scoped3A = tpu.sem_alloc : memref<!tpu.dma_semaphore, #tpu.memory_space<semaphore_mem>>
      %dma_start3A_328 = arith.constant 0 : i32
      %dma_start3A_329 = arith.constant 0 : i32
      %dma_start3A_330 = tpu.memref_slice %arg16[%dma_start3A_328, %dma_start3A_329] : memref<10112x128xf32, #tpu.memory_space<vmem_shared>> -> memref<10112x128xf32, #tpu.memory_space<vmem_shared>>
      tpu.enqueue_indirect_dma source(%arg13 : memref<128x128xf32, #tpu.memory_space<vmem>>) target(%dma_start3A_330 : memref<10112x128xf32, #tpu.memory_space<vmem_shared>>) offsets(%arg8 : memref<128xi32, #tpu.memory_space<vmem>>) semaphore(%run_scoped3A : memref<!tpu.dma_semaphore, #tpu.memory_space<semaphore_mem>>) {add = true}
      %dma_wait3A_331 = arith.constant 0 : i32
      %dma_wait3A_332 = arith.constant 0 : i32
      %dma_wait3A_333 = tpu.memref_slice %arg16[%dma_wait3A_331, %dma_wait3A_332] : memref<10112x128xf32, #tpu.memory_space<vmem_shared>> -> memref<10112x128xf32, #tpu.memory_space<vmem_shared>>
      tpu.wait_indirect_dma semaphore(%run_scoped3A : memref<!tpu.dma_semaphore, #tpu.memory_space<semaphore_mem>>) src(%arg13 : memref<128x128xf32, #tpu.memory_space<vmem>>) dst(%dma_wait3A_333 : memref<10112x128xf32, #tpu.memory_space<vmem_shared>>)
      tpu.yield
    }) : () -> ()
    %dma_wait3A_243 = arith.constant 0 : i32
    %dma_wait3A_244 = tpu.memref_slice %arg3[%dma_wait3A_243] : memref<640000xi32, #tpu.memory_space<hbm>> -> memref<128xi32, #tpu.memory_space<hbm>>
    %dma_wait3A_245 = arith.constant 0 : i32
    %dma_wait3A_246 = tpu.memref_slice %arg3[%dma_wait3A_245] : memref<640000xi32, #tpu.memory_space<hbm>> -> memref<128xi32, #tpu.memory_space<hbm>>
    tpu.wait_dma2 semaphore(%arg19 : memref<!tpu.dma_semaphore, #tpu.memory_space<semaphore_mem>>) src(%dma_wait3A_246 : memref<128xi32, #tpu.memory_space<hbm>>) dst(%arg7 : memref<128xi32, #tpu.memory_space<vmem>>)
    %dma_wait3A_247 = arith.constant 0 : i32
    %dma_wait3A_248 = tpu.memref_slice %arg3[%dma_wait3A_247] : memref<640000xi32, #tpu.memory_space<hbm>> -> memref<128xi32, #tpu.memory_space<hbm>>
    %dma_wait3A_249 = arith.constant 0 : i32
    %dma_wait3A_250 = tpu.memref_slice %arg3[%dma_wait3A_249] : memref<640000xi32, #tpu.memory_space<hbm>> -> memref<128xi32, #tpu.memory_space<hbm>>
    tpu.wait_dma2 semaphore(%arg19 : memref<!tpu.dma_semaphore, #tpu.memory_space<semaphore_mem>>) src(%dma_wait3A_250 : memref<128xi32, #tpu.memory_space<hbm>>) dst(%arg10 : memref<128xi32, #tpu.memory_space<vmem>>)
    %dma_start3A_251 = arith.constant 0 : i32
    %dma_start3A_252 = arith.constant 0 : i32
    %dma_start3A_253 = tpu.memref_slice %arg15[%dma_start3A_251, %dma_start3A_252] : memref<128x128xf32, #tpu.memory_space<vmem>> -> memref<64x128xf32, #tpu.memory_space<vmem>>
    %dma_start3A_254 = arith.constant 0 : i32
    %dma_start3A_255 = tpu.memref_slice %arg7[%dma_start3A_254] : memref<128xi32, #tpu.memory_space<vmem>> -> memref<64xi32, #tpu.memory_space<vmem>>
    %dma_start3A_256 = arith.constant 0 : i32
    %dma_start3A_257 = arith.constant 0 : i32
    %dma_start3A_258 = tpu.memref_slice %arg2[%dma_start3A_256, %dma_start3A_257] : memref<10000x128xf32, #tpu.memory_space<hbm>> -> memref<10000x128xf32, #tpu.memory_space<hbm>>
    tpu.enqueue_indirect_dma source(%dma_start3A_258 : memref<10000x128xf32, #tpu.memory_space<hbm>>) target(%dma_start3A_253 : memref<64x128xf32, #tpu.memory_space<vmem>>) offsets(%dma_start3A_255 : memref<64xi32, #tpu.memory_space<vmem>>) semaphore(%arg22 : memref<!tpu.dma_semaphore, #tpu.memory_space<semaphore_mem>>)
    %dma_start3A_259 = arith.constant 64 : i32
    %dma_start3A_260 = arith.constant 0 : i32
    %dma_start3A_261 = tpu.memref_slice %arg15[%dma_start3A_259, %dma_start3A_260] : memref<128x128xf32, #tpu.memory_space<vmem>> -> memref<64x128xf32, #tpu.memory_space<vmem>>
    %dma_start3A_262 = arith.constant 64 : i32
    %dma_start3A_263 = tpu.memref_slice %arg7[%dma_start3A_262] : memref<128xi32, #tpu.memory_space<vmem>> -> memref<64xi32, #tpu.memory_space<vmem>>
    %dma_start3A_264 = arith.constant 0 : i32
    %dma_start3A_265 = arith.constant 0 : i32
    %dma_start3A_266 = tpu.memref_slice %arg2[%dma_start3A_264, %dma_start3A_265] : memref<10000x128xf32, #tpu.memory_space<hbm>> -> memref<10000x128xf32, #tpu.memory_space<hbm>>
    tpu.enqueue_indirect_dma source(%dma_start3A_266 : memref<10000x128xf32, #tpu.memory_space<hbm>>) target(%dma_start3A_261 : memref<64x128xf32, #tpu.memory_space<vmem>>) offsets(%dma_start3A_263 : memref<64xi32, #tpu.memory_space<vmem>>) semaphore(%arg22 : memref<!tpu.dma_semaphore, #tpu.memory_space<semaphore_mem>>)
    %dma_wait3A_267 = arith.constant 0 : i32
    %dma_wait3A_268 = arith.constant 0 : i32
    %dma_wait3A_269 = tpu.memref_slice %arg14[%dma_wait3A_267, %dma_wait3A_268] : memref<128x128xf32, #tpu.memory_space<vmem>> -> memref<64x128xf32, #tpu.memory_space<vmem>>
    %dma_wait3A_270 = arith.constant 0 : i32
    %dma_wait3A_271 = tpu.memref_slice %arg6[%dma_wait3A_270] : memref<128xi32, #tpu.memory_space<vmem>> -> memref<64xi32, #tpu.memory_space<vmem>>
    %dma_wait3A_272 = arith.constant 0 : i32
    %dma_wait3A_273 = arith.constant 0 : i32
    %dma_wait3A_274 = tpu.memref_slice %arg2[%dma_wait3A_272, %dma_wait3A_273] : memref<10000x128xf32, #tpu.memory_space<hbm>> -> memref<10000x128xf32, #tpu.memory_space<hbm>>
    tpu.wait_indirect_dma semaphore(%arg21 : memref<!tpu.dma_semaphore, #tpu.memory_space<semaphore_mem>>) src(%dma_wait3A_274 : memref<10000x128xf32, #tpu.memory_space<hbm>>) dst(%dma_wait3A_269 : memref<64x128xf32, #tpu.memory_space<vmem>>)
    %dma_wait3A_275 = arith.constant 64 : i32
    %dma_wait3A_276 = arith.constant 0 : i32
    %dma_wait3A_277 = tpu.memref_slice %arg14[%dma_wait3A_275, %dma_wait3A_276] : memref<128x128xf32, #tpu.memory_space<vmem>> -> memref<64x128xf32, #tpu.memory_space<vmem>>
    %dma_wait3A_278 = arith.constant 64 : i32
    %dma_wait3A_279 = tpu.memref_slice %arg6[%dma_wait3A_278] : memref<128xi32, #tpu.memory_space<vmem>> -> memref<64xi32, #tpu.memory_space<vmem>>
    %dma_wait3A_280 = arith.constant 0 : i32
    %dma_wait3A_281 = arith.constant 0 : i32
    %dma_wait3A_282 = tpu.memref_slice %arg2[%dma_wait3A_280, %dma_wait3A_281] : memref<10000x128xf32, #tpu.memory_space<hbm>> -> memref<10000x128xf32, #tpu.memory_space<hbm>>
    tpu.wait_indirect_dma semaphore(%arg21 : memref<!tpu.dma_semaphore, #tpu.memory_space<semaphore_mem>>) src(%dma_wait3A_282 : memref<10000x128xf32, #tpu.memory_space<hbm>>) dst(%dma_wait3A_277 : memref<64x128xf32, #tpu.memory_space<vmem>>)
    "tpu.region"() ({
      %run_scoped3A = tpu.sem_alloc : memref<!tpu.dma_semaphore, #tpu.memory_space<semaphore_mem>>
      %dma_start3A_328 = arith.constant 0 : i32
      %dma_start3A_329 = arith.constant 0 : i32
      %dma_start3A_330 = tpu.memref_slice %arg16[%dma_start3A_328, %dma_start3A_329] : memref<10112x128xf32, #tpu.memory_space<vmem_shared>> -> memref<10112x128xf32, #tpu.memory_space<vmem_shared>>
      tpu.enqueue_indirect_dma source(%arg14 : memref<128x128xf32, #tpu.memory_space<vmem>>) target(%dma_start3A_330 : memref<10112x128xf32, #tpu.memory_space<vmem_shared>>) offsets(%arg9 : memref<128xi32, #tpu.memory_space<vmem>>) semaphore(%run_scoped3A : memref<!tpu.dma_semaphore, #tpu.memory_space<semaphore_mem>>) {add = true}
      %dma_wait3A_331 = arith.constant 0 : i32
      %dma_wait3A_332 = arith.constant 0 : i32
      %dma_wait3A_333 = tpu.memref_slice %arg16[%dma_wait3A_331, %dma_wait3A_332] : memref<10112x128xf32, #tpu.memory_space<vmem_shared>> -> memref<10112x128xf32, #tpu.memory_space<vmem_shared>>
      tpu.wait_indirect_dma semaphore(%run_scoped3A : memref<!tpu.dma_semaphore, #tpu.memory_space<semaphore_mem>>) src(%arg14 : memref<128x128xf32, #tpu.memory_space<vmem>>) dst(%dma_wait3A_333 : memref<10112x128xf32, #tpu.memory_space<vmem_shared>>)
      tpu.yield
    }) : () -> ()
    %dma_wait3A_283 = arith.constant 0 : i32
    %dma_wait3A_284 = arith.constant 0 : i32
    %dma_wait3A_285 = tpu.memref_slice %arg15[%dma_wait3A_283, %dma_wait3A_284] : memref<128x128xf32, #tpu.memory_space<vmem>> -> memref<64x128xf32, #tpu.memory_space<vmem>>
    %dma_wait3A_286 = arith.constant 0 : i32
    %dma_wait3A_287 = tpu.memref_slice %arg7[%dma_wait3A_286] : memref<128xi32, #tpu.memory_space<vmem>> -> memref<64xi32, #tpu.memory_space<vmem>>
    %dma_wait3A_288 = arith.constant 0 : i32
    %dma_wait3A_289 = arith.constant 0 : i32
    %dma_wait3A_290 = tpu.memref_slice %arg2[%dma_wait3A_288, %dma_wait3A_289] : memref<10000x128xf32, #tpu.memory_space<hbm>> -> memref<10000x128xf32, #tpu.memory_space<hbm>>
    tpu.wait_indirect_dma semaphore(%arg22 : memref<!tpu.dma_semaphore, #tpu.memory_space<semaphore_mem>>) src(%dma_wait3A_290 : memref<10000x128xf32, #tpu.memory_space<hbm>>) dst(%dma_wait3A_285 : memref<64x128xf32, #tpu.memory_space<vmem>>)
    %dma_wait3A_291 = arith.constant 64 : i32
    %dma_wait3A_292 = arith.constant 0 : i32
    %dma_wait3A_293 = tpu.memref_slice %arg15[%dma_wait3A_291, %dma_wait3A_292] : memref<128x128xf32, #tpu.memory_space<vmem>> -> memref<64x128xf32, #tpu.memory_space<vmem>>
    %dma_wait3A_294 = arith.constant 64 : i32
    %dma_wait3A_295 = tpu.memref_slice %arg7[%dma_wait3A_294] : memref<128xi32, #tpu.memory_space<vmem>> -> memref<64xi32, #tpu.memory_space<vmem>>
    %dma_wait3A_296 = arith.constant 0 : i32
    %dma_wait3A_297 = arith.constant 0 : i32
    %dma_wait3A_298 = tpu.memref_slice %arg2[%dma_wait3A_296, %dma_wait3A_297] : memref<10000x128xf32, #tpu.memory_space<hbm>> -> memref<10000x128xf32, #tpu.memory_space<hbm>>
    tpu.wait_indirect_dma semaphore(%arg22 : memref<!tpu.dma_semaphore, #tpu.memory_space<semaphore_mem>>) src(%dma_wait3A_298 : memref<10000x128xf32, #tpu.memory_space<hbm>>) dst(%dma_wait3A_293 : memref<64x128xf32, #tpu.memory_space<vmem>>)
    "tpu.region"() ({
      %run_scoped3A = tpu.sem_alloc : memref<!tpu.dma_semaphore, #tpu.memory_space<semaphore_mem>>
      %dma_start3A_328 = arith.constant 0 : i32
      %dma_start3A_329 = arith.constant 0 : i32
      %dma_start3A_330 = tpu.memref_slice %arg16[%dma_start3A_328, %dma_start3A_329] : memref<10112x128xf32, #tpu.memory_space<vmem_shared>> -> memref<10112x128xf32, #tpu.memory_space<vmem_shared>>
      tpu.enqueue_indirect_dma source(%arg15 : memref<128x128xf32, #tpu.memory_space<vmem>>) target(%dma_start3A_330 : memref<10112x128xf32, #tpu.memory_space<vmem_shared>>) offsets(%arg10 : memref<128xi32, #tpu.memory_space<vmem>>) semaphore(%run_scoped3A : memref<!tpu.dma_semaphore, #tpu.memory_space<semaphore_mem>>) {add = true}
      %dma_wait3A_331 = arith.constant 0 : i32
      %dma_wait3A_332 = arith.constant 0 : i32
      %dma_wait3A_333 = tpu.memref_slice %arg16[%dma_wait3A_331, %dma_wait3A_332] : memref<10112x128xf32, #tpu.memory_space<vmem_shared>> -> memref<10112x128xf32, #tpu.memory_space<vmem_shared>>
      tpu.wait_indirect_dma semaphore(%run_scoped3A : memref<!tpu.dma_semaphore, #tpu.memory_space<semaphore_mem>>) src(%arg15 : memref<128x128xf32, #tpu.memory_space<vmem>>) dst(%dma_wait3A_333 : memref<10112x128xf32, #tpu.memory_space<vmem_shared>>)
      tpu.yield
    }) : () -> ()
    %add3A_299 = arith.constant 9984 : i32
    %add3A_300 = arith.addi %mul3A_2, %add3A_299 : i32
    "tpu.region"() ({
      %run_scoped3A = tpu.sem_alloc : memref<!tpu.dma_semaphore, #tpu.memory_space<semaphore_mem>>
      %dma_start3A_328 = tpu.memref_slice %arg3[%add3A_300] : memref<640000xi32, #tpu.memory_space<hbm>> -> memref<16xi32, #tpu.memory_space<hbm>>
      %dma_start3A_329 = tpu.memref_slice %arg3[%add3A_300] : memref<640000xi32, #tpu.memory_space<hbm>> -> memref<16xi32, #tpu.memory_space<hbm>>
      tpu.enqueue_dma source(%dma_start3A_329 : memref<16xi32, #tpu.memory_space<hbm>>) target(%arg11 : memref<16xi32, #tpu.memory_space<vmem>>) target_semaphore(%run_scoped3A : memref<!tpu.dma_semaphore, #tpu.memory_space<semaphore_mem>>)
      %dma_wait3A_330 = tpu.memref_slice %arg3[%add3A_300] : memref<640000xi32, #tpu.memory_space<hbm>> -> memref<16xi32, #tpu.memory_space<hbm>>
      %dma_wait3A_331 = tpu.memref_slice %arg3[%add3A_300] : memref<640000xi32, #tpu.memory_space<hbm>> -> memref<16xi32, #tpu.memory_space<hbm>>
      tpu.wait_dma2 semaphore(%run_scoped3A : memref<!tpu.dma_semaphore, #tpu.memory_space<semaphore_mem>>) src(%dma_wait3A_331 : memref<16xi32, #tpu.memory_space<hbm>>) dst(%arg11 : memref<16xi32, #tpu.memory_space<vmem>>)
      tpu.yield
    }) : () -> ()
    %add3A_301 = arith.constant 9984 : i32
    %add3A_302 = arith.addi %add3A_4, %add3A_301 : i32
    "tpu.region"() ({
      %run_scoped3A = tpu.sem_alloc : memref<!tpu.dma_semaphore, #tpu.memory_space<semaphore_mem>>
      %dma_start3A_328 = tpu.memref_slice %arg3[%add3A_302] : memref<640000xi32, #tpu.memory_space<hbm>> -> memref<16xi32, #tpu.memory_space<hbm>>
      %dma_start3A_329 = tpu.memref_slice %arg3[%add3A_302] : memref<640000xi32, #tpu.memory_space<hbm>> -> memref<16xi32, #tpu.memory_space<hbm>>
      tpu.enqueue_dma source(%dma_start3A_329 : memref<16xi32, #tpu.memory_space<hbm>>) target(%arg12 : memref<16xi32, #tpu.memory_space<vmem>>) target_semaphore(%run_scoped3A : memref<!tpu.dma_semaphore, #tpu.memory_space<semaphore_mem>>)
      %dma_wait3A_330 = tpu.memref_slice %arg3[%add3A_302] : memref<640000xi32, #tpu.memory_space<hbm>> -> memref<16xi32, #tpu.memory_space<hbm>>
      %dma_wait3A_331 = tpu.memref_slice %arg3[%add3A_302] : memref<640000xi32, #tpu.memory_space<hbm>> -> memref<16xi32, #tpu.memory_space<hbm>>
      tpu.wait_dma2 semaphore(%run_scoped3A : memref<!tpu.dma_semaphore, #tpu.memory_space<semaphore_mem>>) src(%dma_wait3A_331 : memref<16xi32, #tpu.memory_space<hbm>>) dst(%arg12 : memref<16xi32, #tpu.memory_space<vmem>>)
      tpu.yield
    }) : () -> ()
    %dma_start3A_303 = arith.constant 0 : i32
    %dma_start3A_304 = arith.constant 0 : i32
    %dma_start3A_305 = tpu.memref_slice %arg13[%dma_start3A_303, %dma_start3A_304] : memref<128x128xf32, #tpu.memory_space<vmem>> -> memref<16x128xf32, #tpu.memory_space<vmem>>
    %dma_start3A_306 = arith.constant 0 : i32
    %dma_start3A_307 = arith.constant 0 : i32
    %dma_start3A_308 = tpu.memref_slice %arg2[%dma_start3A_306, %dma_start3A_307] : memref<10000x128xf32, #tpu.memory_space<hbm>> -> memref<10000x128xf32, #tpu.memory_space<hbm>>
    tpu.enqueue_indirect_dma source(%dma_start3A_308 : memref<10000x128xf32, #tpu.memory_space<hbm>>) target(%dma_start3A_305 : memref<16x128xf32, #tpu.memory_space<vmem>>) offsets(%arg11 : memref<16xi32, #tpu.memory_space<vmem>>) semaphore(%arg20 : memref<!tpu.dma_semaphore, #tpu.memory_space<semaphore_mem>>)
    %dma_wait3A_309 = arith.constant 0 : i32
    %dma_wait3A_310 = arith.constant 0 : i32
    %dma_wait3A_311 = tpu.memref_slice %arg13[%dma_wait3A_309, %dma_wait3A_310] : memref<128x128xf32, #tpu.memory_space<vmem>> -> memref<16x128xf32, #tpu.memory_space<vmem>>
    %dma_wait3A_312 = arith.constant 0 : i32
    %dma_wait3A_313 = arith.constant 0 : i32
    %dma_wait3A_314 = tpu.memref_slice %arg2[%dma_wait3A_312, %dma_wait3A_313] : memref<10000x128xf32, #tpu.memory_space<hbm>> -> memref<10000x128xf32, #tpu.memory_space<hbm>>
    tpu.wait_indirect_dma semaphore(%arg20 : memref<!tpu.dma_semaphore, #tpu.memory_space<semaphore_mem>>) src(%dma_wait3A_314 : memref<10000x128xf32, #tpu.memory_space<hbm>>) dst(%dma_wait3A_311 : memref<16x128xf32, #tpu.memory_space<vmem>>)
    "tpu.region"() ({
      %run_scoped3A = tpu.sem_alloc : memref<!tpu.dma_semaphore, #tpu.memory_space<semaphore_mem>>
      %dma_start3A_328 = arith.constant 0 : i32
      %dma_start3A_329 = arith.constant 0 : i32
      %dma_start3A_330 = tpu.memref_slice %arg13[%dma_start3A_328, %dma_start3A_329] : memref<128x128xf32, #tpu.memory_space<vmem>> -> memref<16x128xf32, #tpu.memory_space<vmem>>
      %dma_start3A_331 = arith.constant 0 : i32
      %dma_start3A_332 = arith.constant 0 : i32
      %dma_start3A_333 = tpu.memref_slice %arg16[%dma_start3A_331, %dma_start3A_332] : memref<10112x128xf32, #tpu.memory_space<vmem_shared>> -> memref<10112x128xf32, #tpu.memory_space<vmem_shared>>
      tpu.enqueue_indirect_dma source(%dma_start3A_330 : memref<16x128xf32, #tpu.memory_space<vmem>>) target(%dma_start3A_333 : memref<10112x128xf32, #tpu.memory_space<vmem_shared>>) offsets(%arg12 : memref<16xi32, #tpu.memory_space<vmem>>) semaphore(%run_scoped3A : memref<!tpu.dma_semaphore, #tpu.memory_space<semaphore_mem>>) {add = true}
      %dma_wait3A_334 = arith.constant 0 : i32
      %dma_wait3A_335 = arith.constant 0 : i32
      %dma_wait3A_336 = tpu.memref_slice %arg13[%dma_wait3A_334, %dma_wait3A_335] : memref<128x128xf32, #tpu.memory_space<vmem>> -> memref<16x128xf32, #tpu.memory_space<vmem>>
      %dma_wait3A_337 = arith.constant 0 : i32
      %dma_wait3A_338 = arith.constant 0 : i32
      %dma_wait3A_339 = tpu.memref_slice %arg16[%dma_wait3A_337, %dma_wait3A_338] : memref<10112x128xf32, #tpu.memory_space<vmem_shared>> -> memref<10112x128xf32, #tpu.memory_space<vmem_shared>>
      tpu.wait_indirect_dma semaphore(%run_scoped3A : memref<!tpu.dma_semaphore, #tpu.memory_space<semaphore_mem>>) src(%dma_wait3A_336 : memref<16x128xf32, #tpu.memory_space<vmem>>) dst(%dma_wait3A_339 : memref<10112x128xf32, #tpu.memory_space<vmem_shared>>)
      tpu.yield
    }) : () -> ()
    %barrier3A_315 = arith.constant 0 : index
    tpu.barrier barrier_id(%barrier3A_315)
    %mul3A_316 = arith.constant 632 : i32
    %mul3A_317 = arith.muli %arg1, %mul3A_316 : i32
    %dma_start3A_318 = arith.constant 0 : i32
    %dma_start3A_319 = tpu.memref_slice %arg4[%arg0, %mul3A_317, %dma_start3A_318] : memref<2x10112x128xf32, #tpu.memory_space<hbm>> -> memref<1x632x128xf32, #tpu.memory_space<hbm>>
    %dma_start3A_320 = tpu.memref_squeeze %dma_start3A_319 : memref<1x632x128xf32, #tpu.memory_space<hbm>> -> memref<632x128xf32, #tpu.memory_space<hbm>>
    %dma_start3A_321 = arith.constant 0 : i32
    %dma_start3A_322 = tpu.memref_slice %arg16[%mul3A_317, %dma_start3A_321] : memref<10112x128xf32, #tpu.memory_space<vmem_shared>> -> memref<632x128xf32, #tpu.memory_space<vmem_shared>>
    tpu.enqueue_dma source(%dma_start3A_322 : memref<632x128xf32, #tpu.memory_space<vmem_shared>>) target(%dma_start3A_320 : memref<632x128xf32, #tpu.memory_space<hbm>>) target_semaphore(%arg26 : memref<!tpu.dma_semaphore, #tpu.memory_space<semaphore_mem>>)
    %dma_wait3A_323 = arith.constant 0 : i32
    %dma_wait3A_324 = tpu.memref_slice %arg4[%arg0, %mul3A_317, %dma_wait3A_323] : memref<2x10112x128xf32, #tpu.memory_space<hbm>> -> memref<1x632x128xf32, #tpu.memory_space<hbm>>
    %dma_wait3A_325 = tpu.memref_squeeze %dma_wait3A_324 : memref<1x632x128xf32, #tpu.memory_space<hbm>> -> memref<632x128xf32, #tpu.memory_space<hbm>>
    %dma_wait3A_326 = arith.constant 0 : i32
    %dma_wait3A_327 = tpu.memref_slice %arg16[%mul3A_317, %dma_wait3A_326] : memref<10112x128xf32, #tpu.memory_space<vmem_shared>> -> memref<632x128xf32, #tpu.memory_space<vmem_shared>>
    tpu.wait_dma2 semaphore(%arg26 : memref<!tpu.dma_semaphore, #tpu.memory_space<semaphore_mem>>) src(%dma_wait3A_327 : memref<632x128xf32, #tpu.memory_space<vmem_shared>>) dst(%dma_wait3A_325 : memref<632x128xf32, #tpu.memory_space<hbm>>)
    return
  }
}

module attributes {stable_mosaic.version = 14 : i64} {
  func.func @_tc_body(%arg0: i32, %arg1: memref<2x2000x128xf32, #tpu.memory_space<vmem>>, %arg2: memref<128x128xf32, #tpu.memory_space<vmem>>, %arg3: memref<2000x128xf32, #tpu.memory_space<vmem>>) attributes {dimension_semantics = [#tpu.dimension_semantics<arbitrary>], iteration_bounds = array<i64: 5>, scalar_prefetch = 0 : i64, scratch_operands = 0 : i64, tpu.core_type = #tpu.core_type<tc>, window_params = [{transform_indices = @transform_0, window_bounds = array<i64: 2, 2000, 128>}, {pipeline_mode = #tpu.pipeline_mode<synchronous>, transform_indices = @transform_1, window_bounds = array<i64: 128, 128>}, {transform_indices = @transform_2, window_bounds = array<i64: 2000, 128>}]} {
    %get3A = arith.constant 0 : index
    %get3A_0 = arith.constant 0 : index
    %get3A_1 = arith.constant 0 : index
    %get3A_2 = vector.load %arg1[%get3A, %get3A_0, %get3A_1] : memref<2x2000x128xf32, #tpu.memory_space<vmem>>, vector<1x2000x128xf32>
    %get3A_3 = vector.shape_cast %get3A_2 : vector<1x2000x128xf32> to vector<2000x128xf32>
    %get3A_4 = arith.constant 1 : index
    %get3A_5 = arith.constant 0 : index
    %get3A_6 = arith.constant 0 : index
    %get3A_7 = vector.load %arg1[%get3A_4, %get3A_5, %get3A_6] : memref<2x2000x128xf32, #tpu.memory_space<vmem>>, vector<1x2000x128xf32>
    %get3A_8 = vector.shape_cast %get3A_7 : vector<1x2000x128xf32> to vector<2000x128xf32>
    %add3A = arith.addf %get3A_3, %get3A_8 : vector<2000x128xf32>
    %get3A_9 = arith.constant 0 : index
    %get3A_10 = arith.constant 0 : index
    %get3A_11 = vector.load %arg2[%get3A_9, %get3A_10] : memref<128x128xf32, #tpu.memory_space<vmem>>, vector<128x128xf32>
    %dot_general3A = arith.constant dense<0.000000e+00> : vector<2000x128xf32>
    %dot_general3A_12 = tpu.matmul %add3A, %get3A_11, %dot_general3A {dimension_numbers = #tpu.dot_dimension_numbers<[1], [1], [0], [0], [0, 0, 1, 0], [], []>, transpose_lhs_hint = false} : vector<2000x128xf32>, vector<128x128xf32>, vector<2000x128xf32> -> vector<2000x128xf32>
    %max3A = arith.constant 0.000000e+00 : f32
    %max3A_13 = vector.broadcast %max3A : f32 to vector<2000x128xf32>
    %max3A_14 = arith.maximumf %dot_general3A_12, %max3A_13 : vector<2000x128xf32>
    %swap3A = arith.constant 0 : index
    %swap3A_15 = arith.constant 0 : index
    %swap3A_16 = vector.load %arg3[%swap3A, %swap3A_15] : memref<2000x128xf32, #tpu.memory_space<vmem>>, vector<2000x128xf32>
    tpu.vector_store %arg3[%swap3A, %swap3A_15], %max3A_14 {strides = array<i32>} : memref<2000x128xf32, #tpu.memory_space<vmem>>, vector<2000x128xf32>,
    return
  }
  func.func @transform_0(%arg0: i32) -> (i32, i32, i32) {
    %c0_i32 = arith.constant 0 : i32
    %c0_i32_0 = arith.constant 0 : i32
    %c0_i32_1 = arith.constant 0 : i32
    return %c0_i32, %arg0, %c0_i32_0 : i32, i32, i32
  }
  func.func @transform_1(%arg0: i32) -> (i32, i32) {
    %c0_i32 = arith.constant 0 : i32
    %c0_i32_0 = arith.constant 0 : i32
    %c0_i32_1 = arith.constant 0 : i32
    return %c0_i32, %c0_i32_0 : i32, i32
  }
  func.func @transform_2(%arg0: i32) -> (i32, i32) {
    %c0_i32 = arith.constant 0 : i32
    %c0_i32_0 = arith.constant 0 : i32
    return %arg0, %c0_i32 : i32, i32
  }
}

</mosaic_0001>

<sc_bundles>
// kernel: kernel.4.cloned.1.call-start
scs
__scs_entry_jumppad:
0x0: {  	(pc) =	sbr.rel $0x88, $3  }
0x1: {  	(tag) =	ssettag $0x0;
	lr =	simm.s32 $0x1  }
0x2: {  	[smem:$0x3F9E] =	sst lr;
	_ =	strace $0xD0000000  }
0x3: {  	_ = 	snop  }
0x4: {  	_ = 	snop  }
0x5: {  	_ = 	snop  }
0x6: {  	_ = 	snop  }
0x7: {  	_ = 	snop  }
__scs_overlays_trampoline_lowered:
0x8: {  	[smem:$0x3FAD] =	sst s0  }
0x9: {  	[smem:$0x3FAE] =	sst s1  }
0xa: {  	[smem:$0x3FAF] =	sst s2  }
0xb: {  	[smem:$0x3FB0] =	sst s3  }
0xc: {  	[smem:$0x3FB1] =	sst s4  }
0xd: {  	[smem:$0x3FB2] =	sst s5  }
0xe: {  	[smem:$0x3FB3] =	sst s6  }
0xf: {  	[smem:$0x3FB4] =	sst s7  }
0x10: {  	[smem:$0x3FB5] =	sst s8  }
0x11: {  	[smem:$0x3FB6] =	sst s9;
	s0 =	simm.s32 @!p0 $0x0  }
0x12: {  	s1 =	sld [smem:$0x3F9C];
	s0 =	simm.s32 @p0 $0x1  }
0x13: {  	[smem:$0x3FB7] =	sst s0;
	s0 =	simm.s32 @!p1 $0x0  }
0x14: {  	s2 =	sld [smem:$0x3F9B];
	s0 =	simm.s32 @p1 $0x1  }
0x15: {  	[smem:$0x3FB8] =	sst s0;
	s0 =	simm.s32 @!p2 $0x0  }
0x16: {  	s3 =	sld [smem:$0x3FDB];
	s0 =	simm.s32 @p2 $0x1  }
0x17: {  	s4 =	simm.s32 $0x1BF5;
	[smem:$0x3FBA] =	sst s0  }
0x18: {  	s0 =	sld [smem:$0x3F9D];
	_ =	swait.ge [sflag:s4], $0x0  }
0x19: {  	s7 =	sld [smem:$0x3F9E]  }
0x1a: {  	s8 =	sadd.s32 $0xFFFFE003, lr  }
0x1b: {  	s9 =	sadd.s32 $0xFFFFFEF7, lr;
	s5 =	simm.s32 $0xFFFFFFFF;
	p2 =	slt.u32 s8, $0xFFFFF086  }
0x1c: {  	p1 =	slt.u32 s9, $0xF7A;
	s5 =	simm.s32 @!p2 $0x0  }
0x1d: {  	s5 =	simm.s32 @p1 $0x1;
	p0 =	seq.s32 s7, s2  }
0x1e: {  	s7 =	smul.u32 @!p0 $0xF7A, s2;
	p2 =	seq.s32 @!p0 s5, $0x0  }
0x1f: {  	s9 =	smul.u32 $0xF7A, s1;
	s8 =	simm.s32 @!p0 $0x1BF5;
	p2 =	por !p2, p0  }
0x20: {  	[sflag:s8] =	ssyncset.s32 @!p0 $0xFFFFF086;
	s6 =	sadd.s32 @!p0 s3, s7;
	s7 =	simm.s32 @!p0 $0x108  }
0x21: {  	s3 =	sadd.s32 s3, s9;
	s6 =	sadd.s32 @!p0 $0x88, s6;
	s7 =	simm.s32 @p2 $0x1082  }
0x22: {  	[simem:s7], [sflag:s8] =	dma.local @!p0 [hbm:s6], $0xF7A  }
0x23: {  	s9 =	sor.u32 $0xD0000000, s2;
	s6 =	simm.s32 $0x108;
	_ =	swait.ge @!p0 [sflag:s8], $0x0  }
0x24: {  	s3 =	sadd.s32 $0x88, s3;
	s6 =	simm.s32 @!p1 $0x1082;
	[sflag:s4] =	ssyncset.s32 $0xFFFFF086  }
0x25: {  	[simem:s6], [sflag:s4] =	dma.local [hbm:s3], $0xF7A  }
0x26: {  	[smem:$0x3F9E] =	sst s1;
	(tag) =	ssettag s2;
	_ =	strace s9  }
0x27: {  	s1 =	sld [smem:$0x3FAE]  }
0x28: {  	s2 =	sld [smem:$0x3FAF]  }
0x29: {  	s4 =	sld [smem:$0x3FB1]  }
0x2a: {  	p0 =	seq.s32 s5, $0x0;
	s5 =	sld [smem:$0x3FB2]  }
0x2b: {  	s6 =	sld [smem:$0x3FB3]  }
0x2c: {  	s7 =	sld [smem:$0x3FB4]  }
0x2d: {  	s3 =	simm.s32 $0x108;
	s8 =	sld [smem:$0x3FB5]  }
0x2e: {  	s3 =	simm.s32 @!p0 $0x1082;
	s9 =	sld [smem:$0x3FB6]  }
0x2f: {  	lr =	sadd.s32 s0, s3;
	s0 =	sld [smem:$0x3FAD]  }
0x30: {  	s3 =	sld [smem:$0x3FB0]  }
0x31: {  	[smem:$0x3FB9] =	sst s10  }
0x32: {  	s10 =	sld [smem:$0x3FB7];
	_ =	sdelay $0x3  }
0x33: {  	p0 =	seq.s32 s10, $0x1;
	s10 =	sld [smem:$0x3FB9];
	_ =	sdelay $0x3  }
0x34: {  	[smem:$0x3FB9] =	sst s10  }
0x35: {  	s10 =	sld [smem:$0x3FB8];
	_ =	sdelay $0x3  }
0x36: {  	p1 =	seq.s32 s10, $0x1;
	s10 =	sld [smem:$0x3FB9];
	_ =	sdelay $0x3  }
0x37: {  	[smem:$0x3FB9] =	sst s10  }
0x38: {  	s10 =	sld [smem:$0x3FBA]  }
0x39: {  	_ = 	snop;
	(pc) =	sbr.ind lr, $3  }
0x3a: {  	_ = 	snop  }
0x3b: {  	_ = 	snop  }
0x3c: {  	p2 =	seq.s32 s10, $0x1;
	s10 =	sld [smem:$0x3FB9]  }
0x3d: {  	_ =	shalt  }
0x3e: {  	_ =	shalt  }
0x3f: {  	_ =	shalt  }
0x40: {  	_ =	shalt  }
0x41: {  	_ =	shalt  }
0x42: {  	_ =	shalt  }
0x43: {  	_ =	shalt  }
0x44: {  	_ =	shalt  }
0x45: {  	_ =	shalt  }
0x46: {  	_ =	shalt  }
0x47: {  	_ =	shalt  }
0x48: {  	_ =	shalt  }
0x49: {  	_ =	shalt  }
0x4a: {  	_ =	shalt  }
0x4b: {  	_ =	shalt  }
0x4c: {  	_ =	shalt  }
0x4d: {  	_ =	shalt  }
0x4e: {  	_ =	shalt  }
0x4f: {  	_ =	shalt  }
0x50: {  	_ =	shalt  }
0x51: {  	_ =	shalt  }
0x52: {  	_ =	shalt  }
0x53: {  	_ =	shalt  }
0x54: {  	_ =	shalt  }
0x55: {  	_ =	shalt  }
0x56: {  	_ =	shalt  }
0x57: {  	_ =	shalt  }
0x58: {  	_ =	shalt  }
0x59: {  	_ =	shalt  }
0x5a: {  	_ =	shalt  }
0x5b: {  	_ =	shalt  }
0x5c: {  	_ =	shalt  }
0x5d: {  	_ =	shalt  }
0x5e: {  	_ =	shalt  }
0x5f: {  	_ =	shalt  }
0x60: {  	_ =	shalt  }
0x61: {  	_ =	shalt  }
0x62: {  	_ =	shalt  }
0x63: {  	_ =	shalt  }
0x64: {  	_ =	shalt  }
0x65: {  	_ =	shalt  }
0x66: {  	_ =	shalt  }
0x67: {  	_ =	shalt  }
0x68: {  	_ =	shalt  }
0x69: {  	_ =	shalt  }
0x6a: {  	_ =	shalt  }
0x6b: {  	_ =	shalt  }
0x6c: {  	_ =	shalt  }
0x6d: {  	_ =	shalt  }
0x6e: {  	_ =	shalt  }
0x6f: {  	_ =	shalt  }
0x70: {  	_ =	shalt  }
0x71: {  	_ =	shalt  }
0x72: {  	_ =	shalt  }
0x73: {  	_ =	shalt  }
0x74: {  	_ =	shalt  }
0x75: {  	_ =	shalt  }
0x76: {  	_ =	shalt  }
0x77: {  	_ =	shalt  }
0x78: {  	_ =	shalt  }
0x79: {  	_ =	shalt  }
0x7a: {  	_ =	shalt  }
0x7b: {  	_ =	shalt  }
0x7c: {  	_ =	shalt  }
0x7d: {  	_ =	shalt  }
0x7e: {  	_ =	shalt  }
0x7f: {  	_ =	shalt  }
0x80: {  	_ =	shalt  }
0x81: {  	_ =	shalt  }
0x82: {  	_ =	shalt  }
0x83: {  	_ =	shalt  }
0x84: {  	_ =	shalt  }
0x85: {  	_ =	shalt  }
0x86: {  	_ =	shalt  }
0x87: {  	_ =	shalt  }
.Lfunc_end0:
.L_simem_size_0:
called_computation_lowered:
.L_overlay_start_0:
0x88: {  	s2 =	sld [smem:$0x3FD9]  }
0x89: {  	s3 =	sld [smem:$0x3FFE];
	_ =	sdelay $0x1  }
0x8a: {  	s1 =	srdreg.scid  }
0x8b: {  	s0 =	sand.u32 $0x1, s1  }
0x8c: {  	s17 =	sshll.u32 s0, $0xA;
	s2 =	sadd.s32 s3, s2  }
0x8d: {  	s2 =	sadd.s32 s2, s17  }
0x8e: {  	[smem:$0x3FC5] =	sst s2  }
0x8f: {  	_ = 	snop  }
0x90: {  	s2 =	sld [smem:$0x3FC9]  }
0x91: {  	s18 =	sld [smem:$0x3FD0];
	(tm) =	ssettm $0x1  }
0x92: {  	s4 =	sld [smem:$0x3FFB];
	_ =	sdelay $0x3  }
0x93: {  	_ =	strace s4  }
0x94: {  	s4 =	sld [smem:$0x3FFC];
	_ =	sdelay $0x3  }
0x95: {  	_ =	strace s4  }
0x96: {  	s4 =	sld [smem:$0x3FFD];
	_ =	sdelay $0x3  }
0x97: {  	_ =	strace s4  }
0x98: {  	_ =	strace $0x8FFFFFFF  }
0x99: {  	s19 =	sld [smem:$0x3FDB];
	_ =	sdelay $0x1  }
0x9a: {  	s5 =	simm.s32 $_scs_section_size  }
0x9b: {  	s6 =	simm.s32 $_size__tile_overlayer_lowered;
	s7 =	simm.s32 $_tile_overlayer_lowered  }
0x9c: {  	s22 =	simm.s32 $0x1BFF;
	s21 =	sshll.u32 s7, $0x1;
	s4 =	sadd.s32 s5, s19  }
0x9d: {  	s8 =	simm.s32 $0x0;
	s20 =	sshll.u32 s6, $0x1;
	s6 =	sadd.s32 s21, s4  }
0x9e: {  	[timem:s8], [sflag:s22] =	dma.local [hbm:s6], s20  }
0x9f: {  	_ =	swait.ge [sflag:s22], s20  }
0xa0: {  	s5 =	ssub.s32 $0x0, s20;
	[sflag:s22] =	ssyncset.done $0x0  }
0xa1: {  	[sflag:s22] =	ssyncadd.s32 s5;
	_ =	sdelay $0x1  }
0xa2: {  	s23 =	simm.s32 $0x1B8B  }
0xa3: {  	_ =	swait.ge [sflag:s23], $0x1  }
0xa4: {  	[sflag:s23] =	ssyncset.done $0x0  }
0xa5: {  	s25 =	simm.s32 $0x1B8E;
	s24 =	sld [smem:$0x3FFE];
	[sflag:s23] =	ssyncadd.s32 $0xFFFFFFFF  }
0xa6: {  	s26 =	simm.s32 $execute0_lowered;
	[smem:$0x3FD2] =	sst s25  }
0xa7: {  	s6 =	sshll.u32 s26, $0x1;
	_ =	strace $0x80000046;
	[dreg:$0x1] =	wrdreg $0xFFFFFFFF  }
0xa8: {  	s28 =	simm.s32 $_size_execute0_lowered;
	s4 =	sadd.s32 s4, s6;
	[dreg:$0x0] =	wrdreg $0x0  }
0xa9: {  	s6 =	sshll.u32 s28, $0x1;
	[dreg:$0x2] =	wrdreg s4  }
0xaa: {  	[dreg:$0x3] =	wrdreg s6  }
0xab: {  	[dreg:$0x4] =	wrdreg $0xC0  }
0xac: {  	_ =	task [dreg:s8], $0x5FFFF  }
0xad: {  	[dreg:$0x1] =	wrdreg $0xFFFFFFFF  }
0xae: {  	[dreg:$0x0] =	wrdreg $0x60  }
0xaf: {  	[dreg:$0x2] =	wrdreg s2  }
0xb0: {  	[dreg:$0x3] =	wrdreg s18  }
0xb1: {  	[dreg:$0x4] =	wrdreg s24  }
0xb2: {  	[dreg:$0x5] =	wrdreg $0xC4000  }
0xb3: {  	[dreg:$0x6] =	wrdreg $0x9  }
0xb4: {  	_ =	task.clear_ibuf [dreg:s8], $0x7FFFF;
	_ =	strace $0x90000046  }
0xb5: {  	s29 =	simm.s32 $0x9;
	_ =	strace $0x80000048  }
0xb6: {  	_ =	swait.ge [sflag:s29], $0x1  }
0xb7: {  	[sflag:s29] =	ssyncadd.s32 $0xFFFFFFFF  }
0xb8: {  	_ =	strace $0x90000048  }
0xb9: {  	_ =	sfence  }
0xba: {  	s30 =	sld [smem:$0x0];
	_ =	sdelay $0x2  }
0xbb: {  	s31 =	sshll.u32 s1, $0xD;
	s1 =	sshrl.u32 s1, $0x2  }
0xbc: {  	s3 =	sand.u32 $0x4000, s31;
	s1 =	sadd.s32 s1, s30  }
0xbd: {  	s0 =	sor.u32 s3, s0;
	s1 =	sshll.u32 s1, $0x11  }
0xbe: {  	s0 =	sor.u32 s1, s0  }
0xbf: {  	s0 =	sadd.s32 $0x8F2B, s0  }
0xc0: {  	[sflag:s0] =	ssyncadd.remote.s32 $0x1  }
0xc1: {  	_ =	sfence.sel $0xFFFF  }
0xc2: {  	[dreg:$0x0] =	wrdreg $0xFFFFFFFF;
	(pc) =	sbr.abs _section_cstart, $3  }
0xc3: {  	[dreg:$0x1] =	wrdreg $0xFFFFFFFF  }
0xc4: {  	_ =	task.clear_ibuf [dreg:s8], $0x2FFFF;
	_ =	strace $0x9FFFFFFF  }
0xc5: {  	(tm) =	ssettm $0x7FFFFFFF  }
tec
execute0_lowered:
.L_overlay_start_1:
0x0: {  	(tag) =	ssettag $0x1  }
0x1: {  	s0 =	rddreg [dreg:$0x0]  }
0x2: {  	s2 =	rddreg [dreg:$0x1]  }
0x3: {  	s1 =	srdreg.scid;
	s3 =	rddreg [dreg:$0x2]  }
0x4: {  	s9 =	stileid.u32;
	s4 =	rddreg [dreg:$0x3]  }
0x5: {  	s5 =	simm.s32 $0x0;
	s28 =	simm.s32 $0x400;
	s7 =	smul.u32 $0x13C00, s9  }
0x6: {  	s29 =	simm.s32 $0x7;
	s30 =	simm.s32 $0x1;
	s19 =	smul.u32 $0x4F000, s9  }
0x7: {  	s31 =	simm.s32 $0x40;
	s1 =	sand.u32 $0x1, s1;
	s21 =	smul.u32 $0x4E20, s9  }
0x8: {  	s8 =	sshll.u32 s9, $0x1;
	[smem:$0x7FF] =	sst s5;
	s6 =	smul.u32 $0x13C000, s1  }
0x9: {  	s8 =	sor.u32 s1, s8;
	s17 =	ssub.s32 $0x2, s1;
	s1 =	smul.u32 $0x2710, s1  }
0xa: {  	_ =	strace $0x80000047;
	s16 =	smul.u32 $0x2710, s8;
	s6 =	sadd.s32 s7, s6  }
0xb: {  	s18 =	sshrl.u32 s17, $0x1;
	s1 =	sadd.s32 s1, s21;
	s6 =	sshrl.u32 s6, $0x3  }
0xc: {  	s7 =	sshrl.u32 s16, $0x3;
	s12 =	sadd.s32 $0x4E480, s1;
	s14 =	sadd.s32 $0x280, s1  }
0xd: {  	s21 =	sadd.s32 $0x4E380, s1;
	s3 =	sadd.s32 s6, s3;
	s10 =	sadd.s32 s2, s7  }
0xe: {  	s6 =	ssub.s32 s17, s18;
	s7 =	sshrl.u32 s19, $0x2;
	s8 =	sshrl.u32 s14, $0x3  }
0xf: {  	s17 =	sadd.s32 $0x4E400, s1;
	s20 =	sadd.s32 $0x9C40, s10;
	[dreg:$0xa] =	wrdreg s10  }
0x10: {  	s14 =	simm.s32 $0x8400;
	s22 =	sadd.s32 $0x10, s10;
	[dreg:$0xb] =	wrdreg s20  }
0x11: {  	s23 =	sadd.s32 $0x9C50, s10;
	s24 =	sadd.s32 $0x20, s10;
	[dreg:$0xc] =	wrdreg s22  }
0x12: {  	s19 =	sadd.s32 s7, s4;
	s25 =	sadd.s32 $0x9C60, s10;
	[dreg:$0xd] =	wrdreg s23  }
0x13: {  	s7 =	sshrl.u32 s12, $0x3;
	s15 =	sadd.s32 $0x4E0, s10;
	[dreg:$0xe] =	wrdreg s24  }
0x14: {  	s16 =	sadd.s32 s8, s2;
	s18 =	sshrl.u32 s17, $0x3;
	[dreg:$0x10] =	wrdreg s25  }
0x15: {  	s3 =	sadd.s32 $0x800, s3;
	s12 =	simm.s32 $0x8;
	[dreg:$0x15] =	wrdreg s15  }
0x16: {  	s17 =	simm.s32 $0x5;
	s26 =	sadd.s32 $0x4000, s19;
	[dreg:$0x6] =	wrdreg s16  }
0x17: {  	s9 =	sadd.s32 $0x8000, s19;
	s11 =	sadd.s32 $0xC000, s19;
	[dreg:$0x17] =	wrdreg s3  }
0x18: {  	s13 =	sadd.s32 $0x10000, s19;
	s7 =	sadd.s32 s7, s2;
	[dreg:$0xf] =	wrdreg s19  }
0x19: {  	s20 =	sadd.s32 $0x200, s1;
	s23 =	sshrl.u32 s21, $0x3;
	[dreg:$0x11] =	wrdreg s26  }
0x1a: {  	s24 =	sadd.s32 $0xA120, s10;
	s1 =	sadd.s32 $0x180, s1;
	[dreg:$0x12] =	wrdreg s9  }
0x1b: {  	s3 =	simm.s32 $0x2400;
	s10 =	simm.s32 $0x4;
	[dreg:$0x13] =	wrdreg s11  }
0x1c: {  	s15 =	simm.s32 $0x140;
	s16 =	simm.s32 $0xA400;
	[dreg:$0x14] =	wrdreg s13  }
0x1d: {  	[dreg:$0x5] =	wrdreg s7;
	s7 =	sadd.s32 s18, s2;
	s8 =	sshrl.u32 s20, $0x3  }
0x1e: {  	[dreg:$0x16] =	wrdreg s24;
	s25 =	sadd.s32 s23, s2;
	s26 =	smax.u32 s6, $0x1  }
0x1f: {  	[dreg:$0x19] =	wrdreg s1;
	s23 =	simm.s32 $0x80;
	s24 =	simm.s32 $0x200  }
0x20: {  	s1 =	simm.s32 $0x2;
	s9 =	simm.s32 $0x6400;
	[dreg:$0x7] =	wrdreg s7  }
0x21: {  	s13 =	simm.s32 $0x3;
	s18 =	simm.s32 $0x6;
	[dreg:$0x18] =	wrdreg s26  }
0x22: {  	s11 =	simm.s32 $0x0;
	s22 =	sadd.s32 s8, s2;
	[dreg:$0x9] =	wrdreg s25  }
0x23: {  	s25 =	simm.s32 $0x100;
	s26 =	simm.s32 $0x280;
	s7 =	simm.s32 $0x4400  }
0x24: {  	v0 =	vimm.f32 $0.0e+00;
	s8 =	simm.s32 $0xC0;
	[dreg:$0x8] =	wrdreg s22;
	s22 =	simm.s32 $0x180  }
.LBB2_1:
0x25: {  	[dreg:$0x1a] =	wrdreg s11;
	s6 =	simm.s32 $0x0;
	s11 =	simm.s32 $0x200  }
.LBB2_2:
0x26: {  	p0 =	sne.s32 s11, $0xFE00;
	[tilespmem:s6+$0x470] =	vst v0  }
0x27: {  	[tilespmem:s6+$0x400] =	vst v0  }
0x28: {  	[tilespmem:s6+$0x410] =	vst v0  }
.Ltmp0:
0x29: {  	[tilespmem:s6+$0x420] =	vst v0;
	(pc) =	sbr.rel @p0 .LBB2_2-.Ltmp0, $4  }
0x2a: {  	[tilespmem:s6+$0x430] =	vst v0  }
0x2b: {  	[tilespmem:s6+$0x440] =	vst v0  }
0x2c: {  	[tilespmem:s6+$0x450] =	vst v0  }
0x2d: {  	[tilespmem:s6+$0x460] =	vst v0;
	s6 =	sshra.s32 s11, $0x2;
	s11 =	sadd.s32 $0x200, s11  }
0x2e: {  	[tilespmem:s6+$0x470] =	vst v0  }
0x2f: {  	[tilespmem:s6+$0x400] =	vst v0  }
0x30: {  	[tilespmem:s6+$0x410] =	vst v0  }
0x31: {  	[tilespmem:s6+$0x420] =	vst v0  }
0x32: {  	[tilespmem:s6+$0x430] =	vst v0  }
0x33: {  	[tilespmem:s6+$0x440] =	vst v0  }
0x34: {  	[tilespmem:s6+$0x450] =	vst v0  }
0x35: {  	[tilespmem:s6+$0x460] =	vst v0;
	s6 =	simm.s32 $0x0;
	s11 =	rddreg [dreg:$0xa]  }
0x36: {  	[tilespmem:s6], [sflag:$0x1] =	stream.linear.gather [hbm4b:s11+s6], $0x80, $0x38;
	v63 =	vld [tilespmem:$0x0]  }
0x37: {  	s20 =	rddreg [dreg:$0xb]  }
0x38: {  	[tilespmem:s22], [sflag:$0x1] =	stream.linear.gather [hbm4b:s20+s6], $0x80, $0x38;
	v63 =	vld [tilespmem:$0x0]  }
0x39: {  	s21 =	rddreg [dreg:$0xc]  }
0x3a: {  	[tilespmem:s23], [sflag:$0x2] =	stream.linear.gather [hbm4b:s21+s6], $0x80, $0x38;
	v63 =	vld [tilespmem:$0x0]  }
0x3b: {  	s20 =	rddreg [dreg:$0xd]  }
0x3c: {  	[tilespmem:s24], [sflag:$0x2] =	stream.linear.gather [hbm4b:s20+s6], $0x80, $0x38;
	v63 =	vld [tilespmem:$0x0]  }
0x3d: {  	s21 =	rddreg [dreg:$0xe]  }
0x3e: {  	[tilespmem:s25], [sflag:$0x3] =	stream.linear.gather [hbm4b:s21+s6], $0x80, $0x38;
	v63 =	vld [tilespmem:$0x0]  }
0x3f: {  	s20 =	rddreg [dreg:$0x10]  }
0x40: {  	[tilespmem:s26], [sflag:$0x3] =	stream.linear.gather [hbm4b:s20+s6], $0x80, $0x38;
	v63 =	vld [tilespmem:$0x0]  }
0x41: {  	_ = 	snop  }
0x42: {  	[spmem:s19] =	stream.linear.scatter [tilespmem:s28], [sflag:$0x7], $0x4000, $0x38;
	v63 =	vld [tilespmem:$0x0]  }
0x43: {  	s21 =	rddreg [dreg:$0x11]  }
0x44: {  	[spmem:s21] =	stream.linear.scatter [tilespmem:s28], [sflag:$0x7], $0x4000, $0x38;
	v63 =	vld [tilespmem:$0x0]  }
0x45: {  	s19 =	rddreg [dreg:$0x12]  }
0x46: {  	[spmem:s19] =	stream.linear.scatter [tilespmem:s28], [sflag:$0x7], $0x4000, $0x38;
	v63 =	vld [tilespmem:$0x0]  }
0x47: {  	s20 =	rddreg [dreg:$0x13]  }
0x48: {  	[spmem:s20] =	stream.linear.scatter [tilespmem:s28], [sflag:$0x7], $0x4000, $0x38;
	v63 =	vld [tilespmem:$0x0]  }
0x49: {  	s21 =	rddreg [dreg:$0x14]  }
0x4a: {  	[spmem:s21] =	stream.linear.scatter [tilespmem:s28], [sflag:$0x7], $0x3C00, $0x38;
	v63 =	vld [tilespmem:$0x0]  }
0x4b: {  	_ =	swait.ge [sflag:s29], $0x4000  }
0x4c: {  	[sflag:s29] =	ssyncset.done $0x0  }
0x4d: {  	[sflag:s29] =	ssyncadd.s32 $0xFFFFC000  }
0x4e: {  	_ =	swait.ge [sflag:s29], $0x4000  }
0x4f: {  	[sflag:s29] =	ssyncset.done $0x0  }
0x50: {  	[sflag:s29] =	ssyncadd.s32 $0xFFFFC000  }
0x51: {  	_ =	swait.ge [sflag:s29], $0x4000  }
0x52: {  	[sflag:s29] =	ssyncset.done $0x0  }
0x53: {  	[sflag:s29] =	ssyncadd.s32 $0xFFFFC000  }
0x54: {  	_ =	swait.ge [sflag:s29], $0x4000  }
0x55: {  	[sflag:s29] =	ssyncset.done $0x0  }
0x56: {  	[sflag:s29] =	ssyncadd.s32 $0xFFFFC000  }
0x57: {  	_ =	swait.ge [sflag:s29], $0x3C00  }
0x58: {  	[sflag:s29] =	ssyncset.done $0x0  }
0x59: {  	[sflag:s29] =	ssyncadd.s32 $0xFFFFC400  }
0x5a: {  	_ =	swait.ge [sflag:s30], $0x80  }
0x5b: {  	[sflag:s30] =	ssyncset.done $0x0  }
0x5c: {  	[sflag:s30] =	ssyncadd.s32 $0xFFFFFF80  }
0x5d: {  	_ =	swait.ge [sflag:s30], $0x80  }
0x5e: {  	[sflag:s30] =	ssyncset.done $0x0  }
0x5f: {  	[sflag:s30] =	ssyncadd.s32 $0xFFFFFF80  }
0x60: {  	[tilespmem:s28], [sflag:$0x4] =	stream.indirect.gather [hbm4b:s0+s31], $0x80, s6, s31, $0xb8;
	v63 =	vld [tilespmem:$0x0]  }
0x61: {  	_ = 	snop  }
0x62: {  	[tilespmem:s3], [sflag:$0x4] =	stream.indirect.gather [hbm4b:s0+s31], $0x80, s31, s31, $0xb8;
	v63 =	vld [tilespmem:$0x0]  }
0x63: {  	_ =	swait.ge [sflag:s1], $0x80  }
0x64: {  	[sflag:s1] =	ssyncset.done $0x0  }
0x65: {  	[sflag:s1] =	ssyncadd.s32 $0xFFFFFF80  }
0x66: {  	_ =	swait.ge [sflag:s1], $0x80  }
0x67: {  	[sflag:s1] =	ssyncset.done $0x0  }
0x68: {  	[sflag:s1] =	ssyncadd.s32 $0xFFFFFF80  }
0x69: {  	[tilespmem:s7], [sflag:$0x5] =	stream.indirect.gather [hbm4b:s0+s31], $0x80, s23, s31, $0xb8;
	v63 =	vld [tilespmem:$0x0]  }
0x6a: {  	_ = 	snop  }
0x6b: {  	[tilespmem:s9], [sflag:$0x5] =	stream.indirect.gather [hbm4b:s0+s31], $0x80, s8, s31, $0xb8;
	v63 =	vld [tilespmem:$0x0]  }
0x6c: {  	[bflag:$0x0] =	sbarrier.arrive $0xFFFF  }
0x6d: {  	_ =	swait.ge [sflag:s10], $0x2000  }
0x6e: {  	[sflag:s10] =	ssyncset.done $0x0  }
0x6f: {  	[sflag:s10] =	ssyncadd.s32 $0xFFFFE000  }
0x70: {  	_ =	swait.ge [sflag:s10], $0x2000  }
0x71: {  	[sflag:s10] =	ssyncset.done $0x0  }
0x72: {  	[sflag:s10] =	ssyncadd.s32 $0xFFFFE000  }
0x73: {  	[spmem:s4] =	stream.indirect.scatter.add.f32 [tilespmem:s28], [sflag:$0x8], $0x80, s22, s23, $0xb8;
	v63 =	vld [tilespmem:$0x0]  }
0x74: {  	_ =	swait.ge [sflag:s12], $0x4000  }
0x75: {  	s20 =	rddreg [dreg:$0x19]  }
0x76: {  	[sflag:s12] =	ssyncset.done $0x0;
	s11 =	sshrl.u32 s20, $0x3  }
0x77: {  	s19 =	rddreg [dreg:$0x9];
	[sflag:s12] =	ssyncadd.s32 $0xFFFFC000;
	s6 =	sadd.s32 s2, s11  }
0x78: {  	[tilespmem:s5], [sflag:$0x1] =	stream.linear.gather [hbm4b:s6+s5], $0x80, $0x38;
	v63 =	vld [tilespmem:$0x0]  }
0x79: {  	s21 =	sadd.s32 $0x0, s19  }
0x7a: {  	[tilespmem:s22], [sflag:$0x1] =	stream.linear.gather [hbm4b:s21+s5], $0x80, $0x38;
	v63 =	vld [tilespmem:$0x0]  }
0x7b: {  	_ =	swait.ge [sflag:s13], $0x80  }
0x7c: {  	[sflag:s13] =	ssyncset.done $0x0  }
0x7d: {  	[sflag:s13] =	ssyncadd.s32 $0xFFFFFF80  }
0x7e: {  	_ =	swait.ge [sflag:s13], $0x80  }
0x7f: {  	[sflag:s13] =	ssyncset.done $0x0  }
0x80: {  	[sflag:s13] =	ssyncadd.s32 $0xFFFFFF80  }
0x81: {  	[tilespmem:s14], [sflag:$0x6] =	stream.indirect.gather [hbm4b:s0+s31], $0x80, s25, s31, $0xb8;
	v63 =	vld [tilespmem:$0x0]  }
0x82: {  	_ = 	snop  }
0x83: {  	[tilespmem:s16], [sflag:$0x6] =	stream.indirect.gather [hbm4b:s0+s31], $0x80, s15, s31, $0xb8;
	v63 =	vld [tilespmem:$0x0]  }
0x84: {  	_ =	swait.ge [sflag:s17], $0x2000  }
0x85: {  	[sflag:s17] =	ssyncset.done $0x0  }
0x86: {  	[sflag:s17] =	ssyncadd.s32 $0xFFFFE000  }
0x87: {  	_ =	swait.ge [sflag:s17], $0x2000  }
0x88: {  	[sflag:s17] =	ssyncset.done $0x0  }
0x89: {  	[sflag:s17] =	ssyncadd.s32 $0xFFFFE000  }
0x8a: {  	[spmem:s4] =	stream.indirect.scatter.add.f32 [tilespmem:s7], [sflag:$0x8], $0x80, s24, s23, $0xb8;
	v63 =	vld [tilespmem:$0x0]  }
0x8b: {  	_ =	swait.ge [sflag:s12], $0x4000  }
0x8c: {  	s11 =	rddreg [dreg:$0x8];
	[sflag:s12] =	ssyncset.done $0x0  }
0x8d: {  	s19 =	rddreg [dreg:$0x7];
	[sflag:s12] =	ssyncadd.s32 $0xFFFFC000;
	s6 =	sadd.s32 $0x0, s11  }
0x8e: {  	[tilespmem:s23], [sflag:$0x2] =	stream.linear.gather [hbm4b:s6+s5], $0x80, $0x38;
	v63 =	vld [tilespmem:$0x0]  }
0x8f: {  	s21 =	sadd.s32 $0x0, s19  }
0x90: {  	[tilespmem:s24], [sflag:$0x2] =	stream.linear.gather [hbm4b:s21+s5], $0x80, $0x38;
	v63 =	vld [tilespmem:$0x0]  }
0x91: {  	_ =	swait.ge [sflag:s30], $0x80  }
0x92: {  	[sflag:s30] =	ssyncset.done $0x0  }
0x93: {  	[sflag:s30] =	ssyncadd.s32 $0xFFFFFF80  }
0x94: {  	_ =	swait.ge [sflag:s30], $0x80  }
0x95: {  	[sflag:s30] =	ssyncset.done $0x0  }
0x96: {  	[sflag:s30] =	ssyncadd.s32 $0xFFFFFF80  }
0x97: {  	[tilespmem:s28], [sflag:$0x4] =	stream.indirect.gather [hbm4b:s0+s31], $0x80, s5, s31, $0xb8;
	v63 =	vld [tilespmem:$0x0]  }
0x98: {  	_ = 	snop  }
0x99: {  	[tilespmem:s3], [sflag:$0x4] =	stream.indirect.gather [hbm4b:s0+s31], $0x80, s31, s31, $0xb8;
	v63 =	vld [tilespmem:$0x0]  }
0x9a: {  	_ =	swait.ge [sflag:s18], $0x2000  }
0x9b: {  	[sflag:s18] =	ssyncset.done $0x0  }
0x9c: {  	[sflag:s18] =	ssyncadd.s32 $0xFFFFE000  }
0x9d: {  	_ =	swait.ge [sflag:s18], $0x2000  }
0x9e: {  	[sflag:s18] =	ssyncset.done $0x0  }
0x9f: {  	[sflag:s18] =	ssyncadd.s32 $0xFFFFE000  }
0xa0: {  	[spmem:s4] =	stream.indirect.scatter.add.f32 [tilespmem:s14], [sflag:$0x8], $0x80, s26, s23, $0xb8;
	v63 =	vld [tilespmem:$0x0]  }
0xa1: {  	_ =	swait.ge [sflag:s12], $0x4000  }
0xa2: {  	s11 =	rddreg [dreg:$0x6];
	[sflag:s12] =	ssyncset.done $0x0  }
0xa3: {  	s19 =	rddreg [dreg:$0x5];
	[sflag:s12] =	ssyncadd.s32 $0xFFFFC000;
	s6 =	sadd.s32 $0x0, s11  }
0xa4: {  	[tilespmem:s25], [sflag:$0x3] =	stream.linear.gather [hbm4b:s6+s5], $0x80, $0x38;
	v63 =	vld [tilespmem:$0x0]  }
0xa5: {  	s21 =	sadd.s32 $0x0, s19  }
0xa6: {  	[tilespmem:s26], [sflag:$0x3] =	stream.linear.gather [hbm4b:s21+s5], $0x80, $0x38;
	v63 =	vld [tilespmem:$0x0]  }
0xa7: {  	_ =	swait.ge [sflag:s1], $0x80  }
0xa8: {  	[sflag:s1] =	ssyncset.done $0x0  }
0xa9: {  	[sflag:s1] =	ssyncadd.s32 $0xFFFFFF80  }
0xaa: {  	_ =	swait.ge [sflag:s1], $0x80  }
0xab: {  	[sflag:s1] =	ssyncset.done $0x0  }
0xac: {  	s19 =	simm.s32 $0x30;
	s6 =	sadd.s32 $0x180, s20;
	[sflag:s1] =	ssyncadd.s32 $0xFFFFFF80  }
0xad: {  	[tilespmem:s7], [sflag:$0x5] =	stream.indirect.gather [hbm4b:s0+s31], $0x80, s23, s31, $0xb8;
	v63 =	vld [tilespmem:$0x0]  }
.LBB2_4:
0xae: {  	[tilespmem:s9], [sflag:$0x5] =	stream.indirect.gather [hbm4b:s0+s31], $0x80, s8, s31, $0xb8;
	v63 =	vld [tilespmem:$0x0]  }
0xaf: {  	_ =	swait.ge [sflag:s10], $0x2000  }
0xb0: {  	[sflag:s10] =	ssyncset.done $0x0  }
0xb1: {  	[sflag:s10] =	ssyncadd.s32 $0xFFFFE000  }
0xb2: {  	_ =	swait.ge [sflag:s10], $0x2000  }
0xb3: {  	[sflag:s10] =	ssyncset.done $0x0  }
0xb4: {  	[sflag:s10] =	ssyncadd.s32 $0xFFFFE000  }
0xb5: {  	[spmem:s4] =	stream.indirect.scatter.add.f32 [tilespmem:s28], [sflag:$0x8], $0x80, s22, s23, $0xb8;
	v63 =	vld [tilespmem:$0x0]  }
0xb6: {  	_ =	swait.ge [sflag:s12], $0x4000  }
0xb7: {  	s11 =	smov.u32 s19;
	s21 =	sshrl.u32 s6, $0x3;
	[sflag:s12] =	ssyncset.done $0x0  }
0xb8: {  	s21 =	sadd.s32 s2, s21;
	s20 =	rddreg [dreg:$0x9];
	[sflag:s12] =	ssyncadd.s32 $0xFFFFC000  }
0xb9: {  	[tilespmem:s5], [sflag:$0x1] =	stream.linear.gather [hbm4b:s21+s5], $0x80, $0x38;
	v63 =	vld [tilespmem:$0x0]  }
0xba: {  	s20 =	sadd.s32 s11, s20  }
0xbb: {  	[tilespmem:s22], [sflag:$0x1] =	stream.linear.gather [hbm4b:s20+s5], $0x80, $0x38;
	v63 =	vld [tilespmem:$0x0]  }
0xbc: {  	_ =	swait.ge [sflag:s13], $0x80  }
0xbd: {  	[sflag:s13] =	ssyncset.done $0x0  }
0xbe: {  	[sflag:s13] =	ssyncadd.s32 $0xFFFFFF80  }
0xbf: {  	_ =	swait.ge [sflag:s13], $0x80  }
0xc0: {  	[sflag:s13] =	ssyncset.done $0x0  }
0xc1: {  	[sflag:s13] =	ssyncadd.s32 $0xFFFFFF80  }
0xc2: {  	[tilespmem:s14], [sflag:$0x6] =	stream.indirect.gather [hbm4b:s0+s31], $0x80, s25, s31, $0xb8;
	v63 =	vld [tilespmem:$0x0]  }
0xc3: {  	_ = 	snop  }
0xc4: {  	[tilespmem:s16], [sflag:$0x6] =	stream.indirect.gather [hbm4b:s0+s31], $0x80, s15, s31, $0xb8;
	v63 =	vld [tilespmem:$0x0]  }
0xc5: {  	_ =	swait.ge [sflag:s17], $0x2000  }
0xc6: {  	[sflag:s17] =	ssyncset.done $0x0  }
0xc7: {  	[sflag:s17] =	ssyncadd.s32 $0xFFFFE000  }
0xc8: {  	_ =	swait.ge [sflag:s17], $0x2000  }
0xc9: {  	[sflag:s17] =	ssyncset.done $0x0  }
0xca: {  	[sflag:s17] =	ssyncadd.s32 $0xFFFFE000  }
0xcb: {  	[spmem:s4] =	stream.indirect.scatter.add.f32 [tilespmem:s7], [sflag:$0x8], $0x80, s24, s23, $0xb8;
	v63 =	vld [tilespmem:$0x0]  }
0xcc: {  	_ =	swait.ge [sflag:s12], $0x4000  }
0xcd: {  	s20 =	rddreg [dreg:$0x8];
	[sflag:s12] =	ssyncset.done $0x0  }
0xce: {  	s21 =	rddreg [dreg:$0x7];
	[sflag:s12] =	ssyncadd.s32 $0xFFFFC000;
	s20 =	sadd.s32 s11, s20  }
0xcf: {  	[tilespmem:s23], [sflag:$0x2] =	stream.linear.gather [hbm4b:s20+s5], $0x80, $0x38;
	v63 =	vld [tilespmem:$0x0]  }
0xd0: {  	s21 =	sadd.s32 s11, s21  }
0xd1: {  	[tilespmem:s24], [sflag:$0x2] =	stream.linear.gather [hbm4b:s21+s5], $0x80, $0x38;
	v63 =	vld [tilespmem:$0x0]  }
0xd2: {  	_ =	swait.ge [sflag:s30], $0x80  }
0xd3: {  	[sflag:s30] =	ssyncset.done $0x0  }
0xd4: {  	[sflag:s30] =	ssyncadd.s32 $0xFFFFFF80  }
0xd5: {  	_ =	swait.ge [sflag:s30], $0x80  }
0xd6: {  	[sflag:s30] =	ssyncset.done $0x0  }
0xd7: {  	[sflag:s30] =	ssyncadd.s32 $0xFFFFFF80  }
0xd8: {  	[tilespmem:s28], [sflag:$0x4] =	stream.indirect.gather [hbm4b:s0+s31], $0x80, s5, s31, $0xb8;
	v63 =	vld [tilespmem:$0x0]  }
0xd9: {  	_ = 	snop  }
0xda: {  	[tilespmem:s3], [sflag:$0x4] =	stream.indirect.gather [hbm4b:s0+s31], $0x80, s31, s31, $0xb8;
	v63 =	vld [tilespmem:$0x0]  }
0xdb: {  	_ =	swait.ge [sflag:s18], $0x2000  }
0xdc: {  	[sflag:s18] =	ssyncset.done $0x0  }
0xdd: {  	[sflag:s18] =	ssyncadd.s32 $0xFFFFE000  }
0xde: {  	_ =	swait.ge [sflag:s18], $0x2000  }
0xdf: {  	[sflag:s18] =	ssyncset.done $0x0  }
0xe0: {  	[sflag:s18] =	ssyncadd.s32 $0xFFFFE000  }
0xe1: {  	[spmem:s4] =	stream.indirect.scatter.add.f32 [tilespmem:s14], [sflag:$0x8], $0x80, s26, s23, $0xb8;
	v63 =	vld [tilespmem:$0x0]  }
0xe2: {  	_ =	swait.ge [sflag:s12], $0x4000  }
0xe3: {  	s20 =	rddreg [dreg:$0x6];
	[sflag:s12] =	ssyncset.done $0x0  }
0xe4: {  	s21 =	rddreg [dreg:$0x5];
	[sflag:s12] =	ssyncadd.s32 $0xFFFFC000;
	s20 =	sadd.s32 s11, s20  }
0xe5: {  	[tilespmem:s25], [sflag:$0x3] =	stream.linear.gather [hbm4b:s20+s5], $0x80, $0x38;
	v63 =	vld [tilespmem:$0x0]  }
0xe6: {  	s11 =	sadd.s32 s11, s21  }
0xe7: {  	[tilespmem:s26], [sflag:$0x3] =	stream.linear.gather [hbm4b:s11+s5], $0x80, $0x38;
	v63 =	vld [tilespmem:$0x0]  }
0xe8: {  	_ =	swait.ge [sflag:s1], $0x80  }
0xe9: {  	p0 =	sne.s32 s19, $0x480;
	[sflag:s1] =	ssyncset.done $0x0  }
.Ltmp1:
0xea: {  	[sflag:s1] =	ssyncadd.s32 $0xFFFFFF80;
	(pc) =	sbr.rel @p0 .LBB2_4-.Ltmp1, $4  }
0xeb: {  	_ =	swait.ge [sflag:s1], $0x80  }
0xec: {  	[sflag:s1] =	ssyncset.done $0x0  }
0xed: {  	s19 =	sadd.s32 $0x30, s19;
	s6 =	sadd.s32 $0x180, s6;
	[sflag:s1] =	ssyncadd.s32 $0xFFFFFF80  }
0xee: {  	[tilespmem:s7], [sflag:$0x5] =	stream.indirect.gather [hbm4b:s0+s31], $0x80, s23, s31, $0xb8;
	v63 =	vld [tilespmem:$0x0]  }
0xef: {  	[tilespmem:s9], [sflag:$0x5] =	stream.indirect.gather [hbm4b:s0+s31], $0x80, s8, s31, $0xb8;
	v63 =	vld [tilespmem:$0x0]  }
0xf0: {  	_ =	swait.ge [sflag:s10], $0x2000  }
0xf1: {  	[sflag:s10] =	ssyncset.done $0x0  }
0xf2: {  	[sflag:s10] =	ssyncadd.s32 $0xFFFFE000  }
0xf3: {  	_ =	swait.ge [sflag:s10], $0x2000  }
0xf4: {  	[sflag:s10] =	ssyncset.done $0x0  }
0xf5: {  	[sflag:s10] =	ssyncadd.s32 $0xFFFFE000  }
0xf6: {  	[spmem:s4] =	stream.indirect.scatter.add.f32 [tilespmem:s28], [sflag:$0x8], $0x80, s22, s23, $0xb8;
	v63 =	vld [tilespmem:$0x0]  }
0xf7: {  	_ =	swait.ge [sflag:s12], $0x4000  }
0xf8: {  	[sflag:s12] =	ssyncset.done $0x0  }
0xf9: {  	[sflag:s12] =	ssyncadd.s32 $0xFFFFC000  }
0xfa: {  	_ =	swait.ge [sflag:s13], $0x80  }
0xfb: {  	[sflag:s13] =	ssyncset.done $0x0  }
0xfc: {  	[sflag:s13] =	ssyncadd.s32 $0xFFFFFF80  }
0xfd: {  	_ =	swait.ge [sflag:s13], $0x80  }
0xfe: {  	[sflag:s13] =	ssyncset.done $0x0  }
0xff: {  	[sflag:s13] =	ssyncadd.s32 $0xFFFFFF80  }
0x100: {  	[tilespmem:s14], [sflag:$0x6] =	stream.indirect.gather [hbm4b:s0+s31], $0x80, s25, s31, $0xb8;
	v63 =	vld [tilespmem:$0x0]  }
0x101: {  	_ = 	snop  }
0x102: {  	[tilespmem:s16], [sflag:$0x6] =	stream.indirect.gather [hbm4b:s0+s31], $0x80, s15, s31, $0xb8;
	v63 =	vld [tilespmem:$0x0]  }
0x103: {  	_ =	swait.ge [sflag:s17], $0x2000  }
0x104: {  	[sflag:s17] =	ssyncset.done $0x0  }
0x105: {  	[sflag:s17] =	ssyncadd.s32 $0xFFFFE000  }
0x106: {  	_ =	swait.ge [sflag:s17], $0x2000  }
0x107: {  	[sflag:s17] =	ssyncset.done $0x0  }
0x108: {  	[sflag:s17] =	ssyncadd.s32 $0xFFFFE000  }
0x109: {  	[spmem:s4] =	stream.indirect.scatter.add.f32 [tilespmem:s7], [sflag:$0x8], $0x80, s24, s23, $0xb8;
	v63 =	vld [tilespmem:$0x0]  }
0x10a: {  	_ =	swait.ge [sflag:s12], $0x4000  }
0x10b: {  	[sflag:s12] =	ssyncset.done $0x0  }
0x10c: {  	[sflag:s12] =	ssyncadd.s32 $0xFFFFC000  }
0x10d: {  	_ =	swait.ge [sflag:s18], $0x2000  }
0x10e: {  	[sflag:s18] =	ssyncset.done $0x0  }
0x10f: {  	[sflag:s18] =	ssyncadd.s32 $0xFFFFE000  }
0x110: {  	_ =	swait.ge [sflag:s18], $0x2000  }
0x111: {  	[sflag:s18] =	ssyncset.done $0x0  }
0x112: {  	[sflag:s18] =	ssyncadd.s32 $0xFFFFE000  }
0x113: {  	[spmem:s4] =	stream.indirect.scatter.add.f32 [tilespmem:s14], [sflag:$0x8], $0x80, s26, s23, $0xb8;
	v63 =	vld [tilespmem:$0x0]  }
0x114: {  	_ =	swait.ge [sflag:s12], $0x4000  }
0x115: {  	[sflag:s12] =	ssyncset.done $0x0  }
0x116: {  	s11 =	simm.s32 $0x300;
	s6 =	rddreg [dreg:$0x15];
	[sflag:s12] =	ssyncadd.s32 $0xFFFFC000  }
0x117: {  	[tilespmem:s11], [sflag:$0x8] =	stream.linear.gather [hbm4b:s6+s5], $0x10, $0x38;
	v63 =	vld [tilespmem:$0x0]  }
0x118: {  	_ =	swait.ge [sflag:s12], $0x10  }
0x119: {  	[sflag:s12] =	ssyncset.done $0x0  }
0x11a: {  	s19 =	simm.s32 $0x380;
	s20 =	rddreg [dreg:$0x16];
	[sflag:s12] =	ssyncadd.s32 $0xFFFFFFF0  }
0x11b: {  	[tilespmem:s19], [sflag:$0x8] =	stream.linear.gather [hbm4b:s20+s5], $0x10, $0x38;
	v63 =	vld [tilespmem:$0x0]  }
0x11c: {  	_ =	swait.ge [sflag:s12], $0x10  }
0x11d: {  	[sflag:s12] =	ssyncset.done $0x0  }
0x11e: {  	s21 =	simm.s32 $0x10;
	[sflag:s12] =	ssyncadd.s32 $0xFFFFFFF0  }
0x11f: {  	[tilespmem:s28], [sflag:$0x4] =	stream.indirect.gather [hbm4b:s0+s21], $0x80, s11, s21, $0xb8;
	v63 =	vld [tilespmem:$0x0]  }
0x120: {  	_ =	swait.ge [sflag:s10], $0x800  }
0x121: {  	[sflag:s10] =	ssyncset.done $0x0  }
0x122: {  	[sflag:s10] =	ssyncadd.s32 $0xFFFFF800  }
0x123: {  	[spmem:s4] =	stream.indirect.scatter.add.f32 [tilespmem:s28], [sflag:$0x8], $0x80, s19, s21, $0xb8;
	v63 =	vld [tilespmem:$0x0]  }
0x124: {  	_ =	swait.ge [sflag:s12], $0x800  }
0x125: {  	[sflag:s12] =	ssyncset.done $0x0  }
0x126: {  	[sflag:s12] =	ssyncadd.s32 $0xFFFFF800  }
0x127: {  	s20 =	stileid.u32;
	[bflag:$0x0] =	sbarrier.arrive $0xFFFF  }
0x128: {  	s6 =	sshll.u32 s20, $0x6;
	s19 =	rddreg [dreg:$0xf]  }
0x129: {  	s6 =	sor.u32 $0x1C07, s6;
	s20 =	rddreg [dreg:$0x17];
	s21 =	sshrl.u32 s19, $0x3  }
0x12a: {  	[hbm:s20], [sflag:s6] =	dma.local [spmem:s21], $0x2780  }
0x12b: {  	_ =	swait.ge [sflag:s29], $0x2780  }
0x12c: {  	s20 =	rddreg [dreg:$0x1a]  }
0x12d: {  	s21 =	rddreg [dreg:$0x18];
	s11 =	sadd.s32 $0x1, s20  }
0x12e: {  	p0 =	sne.s32 s11, s21  }
.Ltmp2:
0x12f: {  	_ = 	snop;
	(pc) =	sbr.rel @p0 .LBB2_1-.Ltmp2, $3  }
0x130: {  	_ =	sdelay $0x1  }
0x131: {  	[sflag:s29] =	ssyncset.done $0x0  }
0x132: {  	[sflag:s29] =	ssyncadd.s32 $0xFFFFD880  }
0x133: {  	_ =	sfence.sel $0x180000  }
0x134: {  	[bflag:$0x0] =	sbarrier.arrive $0xFFFF  }
0x135: {  	_ =	strace $0x90000047  }
0x136: {  	s0 =	stileid.u32;
	[bflag:$0x2] =	sbarrier.arrive $0xFFFF  }
0x137: {  	p0 =	sne.s32 s0, $0x0;
	s0 =	rddreg [dreg:$0x4]  }
0x138: {  	s0 =	sadd.s32 @!p0 $0x100000, s0  }
0x139: {  	[sflag:s0] =	ssyncadd.tile.s32 @!p0 $0x1;
	_ =	shalt  }
.Lfunc_end2:
_tile_overlayer_lowered:
.L_overlay_start_2:
0x13a: {  	(tag) =	ssettag $0x2  }
0x13b: {  	s0 =	rddreg [dreg:$0x0];
	s2 =	stileid.u32  }
0x13c: {  	s1 =	rddreg [dreg:$0x1];
	p0 =	sne.s32 s2, $0x0  }
0x13d: {  	s3 =	rddreg [dreg:$0x2];
	[bflag:$0x3] =	sbarrier.arrive $0xFFFF;
	s2 =	simm.s32 @!p0 $0x1C08  }
0x13e: {  	[timem:s3], [sflag:s2] =	dma.local @!p0 [hbm:s0], s1  }
0x13f: {  	s0 =	simm.s32 @!p0 $0x8  }
0x140: {  	_ =	swait.ge @!p0 [sflag:s0], s1  }
0x141: {  	s1 =	ssub.s32 @!p0 $0x0, s1;
	[sflag:s0] =	ssyncset.done @!p0 $0x0  }
0x142: {  	[sflag:s0] =	ssyncadd.s32 @!p0 s1  }
0x143: {  	[bflag:$0x3] =	sbarrier.arrive $0xFFFF  }
0x144: {  	_ =	shalt  }

</sc_bundles>
